<compile_context>
chip_gen: v7x
topology: tpu7x:2x2x1
jax: 0.10.2.dev20260603
libtpu: 0.0.44.dev20260713+nightly
codegen_flags: <defaults>
</compile_context>

<pallas_src>
import functools

import jax
import jax.numpy as jnp
from jax import lax
from jax.experimental import pallas as pl
from jax.experimental.pallas import tpu as pltpu
from jax.experimental.pallas import tpu_sc as plsc

B = 4096
D = 26
AR = 16
OD = 32
TAB = 2 ** AR
NP = B * D
NW = 32
PPW = NP // NW
CH = 64
NCH = PPW // CH
IDX_ROWS = CH * AR // 128
XR = CH * AR // 128
OR = CH * OD // 128


TTB = TAB // 128
NBLK = D * TTB
BPW = NBLK // NW


def _tr_body(tabn_hbm, ltab_hbm, in_v, out_tv, sem_i, sem_o):
  wid = lax.axis_index("s") * 2 + lax.axis_index("c")
  iota = lax.iota(jnp.int32, AR)
  b0 = wid * BPW

  def fire_in(n, slot):
    b = b0 + n
    j = b // TTB
    tt = b % TTB
    return [
        pltpu.async_copy(
            tabn_hbm.at[pl.ds(j * 16384 + cc * 4096 + tt * 8, 8)],
            in_v.at[slot, pl.ds(cc * 8, 8), pl.ds(0, 128)],
            sem_i.at[slot])
        for cc in range(4)
    ]

  fire_in(0, 0)

  def step(n, carry):
    slot = n % 2
    oslot = slot

    @pl.when(n + 1 < BPW)
    def _():
      fire_in(n + 1, (n + 1) % 2)

    for _cc in range(4):
      pltpu.make_async_copy(
          tabn_hbm.at[pl.ds(0, 8)], in_v.at[slot, pl.ds(0, 8), pl.ds(0, 128)],
          sem_i.at[slot]).wait()

    @pl.when(n > 1)
    def _():
      pltpu.make_async_copy(
          out_tv.at[oslot], ltab_hbm.at[pl.ds(0, 128)], sem_o.at[oslot]).wait()

    inb = in_v.at[slot]
    ones16 = (iota >= 0).astype(jnp.int32)

    @plsc.parallel_loop(0, 128, unroll=8, carry=iota - iota)
    def _(t, tvec):
      lo = plsc.load_gather(inb, [iota, tvec])
      hi = plsc.load_gather(inb, [iota + AR, tvec])
      out_tv[oslot, t, 0:AR] = lo
      out_tv[oslot, t, AR:OD] = hi
      return tvec + ones16

    b = b0 + n
    pltpu.async_copy(
        out_tv.at[oslot],
        ltab_hbm.at[pl.ds((b // TTB) * TAB + (b % TTB) * 128, 128)],
        sem_o.at[slot])
    return carry

  lax.fori_loop(0, BPW, step, 0)
  for s in range(2):
    pltpu.make_async_copy(
        out_tv.at[s], ltab_hbm.at[pl.ds(0, 128)], sem_o.at[s]).wait()


@jax.jit
def _transpose(tabn):
  mesh = plsc.VectorSubcoreMesh(core_axis_name="c", subcore_axis_name="s")
  f = functools.partial(
      pl.kernel,
      mesh=mesh,
      out_type=jax.ShapeDtypeStruct((D * TAB, OD), jnp.float32),
      scratch_types=[
          pltpu.VMEM((2, OD, 129), jnp.float32),
          pltpu.VMEM((2, 128, OD), jnp.float32),
          pltpu.SemaphoreType.DMA((2,)),
          pltpu.SemaphoreType.DMA((2,)),
      ],
      compiler_params=pltpu.CompilerParams(
          use_tc_tiling_on_sc=False, needs_layout_passes=False),
  )(_tr_body)
  return f(tabn)


def _hoa_body(x_hbm, tab_hbm, out_hbm, x_v, coef_v, idx_v, rows_v, out_v,
              sem_x, sem_r):
  wid = lax.axis_index("s") * 2 + lax.axis_index("c")
  base = wid * PPW
  xrow0 = wid * (PPW * AR // 128)
  orow0 = wid * (PPW * OD // 128)
  iota = lax.iota(jnp.int32, AR)
  prev_idx = jnp.maximum(iota - 1, 0)
  lane0 = iota == 0
  ones = (iota >= 0).astype(jnp.int32)
  zeros_i = iota - iota

  def fire_x(c, slot):
    return pltpu.async_copy(
        x_hbm.at[pl.ds(xrow0 + c * XR, XR)], x_v.at[slot], sem_x.at[slot])

  def fire_rows(c, slot):
    return [
        pltpu.async_copy(
            tab_hbm.at[idx_v.at[slot, g]],
            rows_v.at[slot, pl.ds(g * 128, 128)],
            sem_r.at[slot],
        )
        for g in range(IDX_ROWS)
    ]

  fire_x(0, 0)

  def step(c, carry):
    slot = c % 2
    nslot = (c + 1) % 2

    @pl.when(c < NCH)
    def _build():
      pltpu.make_async_copy(
          x_hbm.at[pl.ds(xrow0 + c * XR, XR)], x_v.at[slot],
          sem_x.at[slot]).wait()

      @pl.when(c + 1 < NCH)
      def _():
        fire_x(c + 1, nslot)

      pair0 = base + c * CH

      @plsc.parallel_loop(0, CH, unroll=2)
      def _(p):
        a = x_v[slot, p // 8, pl.ds((p % 8) * AR, AR)]
        sa, ind = plsc.sort_key_val(a, iota)
        prev = jnp.take(sa, prev_idx)
        coef = jnp.where(lane0, sa, sa - prev)
        sh = jnp.left_shift(ones, ind)
        cs = plsc.cumsum(sh)
        field = (pair0 + p) % D
        gidx = (field * TAB + 65535 - cs) + sh
        idx_v[slot, p // 8, pl.ds((p % 8) * AR, AR)] = gidx
        coef_v[slot, p] = coef

      fire_rows(c, slot)

    @pl.when(c > 0)
    def _reduce():
      d = c - 1
      dslot = d % 2
      for g in range(IDX_ROWS):
        pltpu.make_async_copy(
            tab_hbm.at[idx_v.at[dslot, g]],
            rows_v.at[dslot, pl.ds(g * 128, 128)],
            sem_r.at[dslot],
        ).wait()

      @plsc.parallel_loop(0, CH, unroll=2)
      def _(p):
        crow = coef_v[dslot, p]
        acc0 = jnp.zeros((16,), jnp.float32)
        acc1 = jnp.zeros((16,), jnp.float32)
        kvec = zeros_i
        r = p * AR
        for k in range(AR):
          cb = jnp.take(crow, kvec)
          kvec = kvec + ones
          acc0 = acc0 + cb * rows_v[dslot, r + k, 0:16]
          acc1 = acc1 + cb * rows_v[dslot, r + k, 16:32]
        out_v[p // 4, pl.ds((p % 4) * OD, AR)] = acc0
        out_v[p // 4, pl.ds((p % 4) * OD + AR, AR)] = acc1

      pltpu.sync_copy(out_v, out_hbm.at[pl.ds(orow0 + d * OR, OR)])

    return carry

  lax.fori_loop(0, NCH + 1, step, 0)


@jax.jit
def _hoa(xf, tab):
  mesh = plsc.VectorSubcoreMesh(core_axis_name="c", subcore_axis_name="s")
  f = functools.partial(
      pl.kernel,
      mesh=mesh,
      out_type=jax.ShapeDtypeStruct((NP * OD // 128, 128), jnp.float32),
      scratch_types=[
          pltpu.VMEM((2, XR, 128), jnp.float32),
          pltpu.VMEM((2, CH, AR), jnp.float32),
          pltpu.VMEM((2, IDX_ROWS, 128), jnp.int32),
          pltpu.VMEM((2, CH * AR, OD), jnp.float32),
          pltpu.VMEM((OR, 128), jnp.float32),
          pltpu.SemaphoreType.DMA((2,)),
          pltpu.SemaphoreType.DMA((2,)),
      ],
      compiler_params=pltpu.CompilerParams(
          use_tc_tiling_on_sc=False, needs_layout_passes=False),
  )(_hoa_body)
  return f(xf, tab)


def kernel(X, params):
  xf = X.reshape(NP * AR // 128, 128)
  tabn = params.reshape(D, TAB // 128, 128, 4, 8)
  tabn = tabn.transpose(0, 3, 1, 4, 2).reshape(D * TAB // 4, 128)
  out = _hoa(xf, _transpose(tabn))
  return out.reshape(B, D, OD)

# --- scband reference (transcript-rebuilt; emitter-appended) ---
"""Pipeline reference for scband-batch-high-order-activation-841813590311 (READ-ONLY COPY).

The authoritative reference and input builder live on the scoring server;
editing this copy changes nothing except your own understanding.
"""

import jax, jax.numpy as jnp
import numpy as np

B = 4096
D = 26        # input_dim (n_sparse_fields)
ARITY = 16
OUT_DIM = 32
TABLE = 2 ** ARITY  # 65536


def setup_inputs(seed: int = 0) -> dict:
    key = jax.random.key(seed)
    k1, k2 = jax.random.split(key)
    X = jax.random.normal(k1, (B, D, ARITY), dtype=jnp.float32)
    params = jax.random.normal(k2, (D, TABLE, OUT_DIM), dtype=jnp.float32)
    return {"X": X, "params": params}


def _fast_high_order_act(A, params):
    # A: [B, D, arity], params: [D, 2**arity, out_dim]
    A_ind = jnp.argsort(A, axis=2)                                  # [B, D, arity] int32
    A_sort = jnp.take_along_axis(A, A_ind, axis=2)                  # [B, D, arity]
    A_diff = A_sort[:, :, 1:] - A_sort[:, :, :-1]
    coef = jnp.concatenate([A_sort[:, :, 0:1], A_diff], axis=2)     # [B, D, arity]
    shifted = jnp.left_shift(jnp.int32(1), A_ind.astype(jnp.int32))  # 1 << ind
    # reverse cumsum along axis 2
    params_A_ind = jnp.flip(jnp.cumsum(jnp.flip(shifted, axis=2), axis=2), axis=2)
    idx_t = jnp.transpose(params_A_ind, (1, 0, 2))                  # [D, B, arity]
    d = A.shape[1]
    # batched gather: for each field j, gather rows of params[j] by idx_t[j]
    params_gather = params[jnp.arange(d)[:, None, None], idx_t]     # [D, B, arity, out_dim]
    out = jnp.einsum('jikl,ijk->ijl', params_gather, coef)          # [B, D, out_dim]
    return out


def reference(X, params):
    # Keras layer reshapes X to [-1, input_dim, arity]; X is already that shape.
    X1 = jnp.reshape(X, (-1, D, ARITY))
    Y1 = _fast_high_order_act(X1, params)
    Y = jnp.reshape(Y1, (-1, D, OUT_DIM))
    return Y

if __name__ == "__main__":
    import jax
    _d = setup_inputs()
    print(jax.jit(kernel)(*tuple(_d.values())))

</pallas_src>

<mosaic_0001>
#map = affine_map<(d0, d1) -> (0, 0)>
module attributes {stable_mosaic.version = 14 : i64} {
  func.func @_tr_body(%arg0: i32, %arg1: i32, %arg2: memref<425984x128xf32, #tpu.memory_space<hbm>>, %arg3: memref<1703936x32xf32, #tpu.memory_space<hbm>>, %arg4: memref<2x32x129xf32, #tpu.memory_space<vmem>>, %arg5: memref<2x128x32xf32, #tpu.memory_space<vmem>>, %arg6: memref<2x!tpu.dma_semaphore, #tpu.memory_space<semaphore_mem>>, %arg7: memref<2x!tpu.dma_semaphore, #tpu.memory_space<semaphore_mem>>) attributes {dimension_semantics = [#tpu.dimension_semantics<core_parallel>, #tpu.dimension_semantics<subcore_parallel>], iteration_bounds = array<i64: 2, 16>, scalar_prefetch = 0 : i64, scratch_operands = 4 : i64, tpu.core_type = #tpu.core_type<sc_vector_subcore>, window_params = [{transform_indices = #map}, {transform_indices = #map}]} {
    %mul3A = arith.constant 2 : i32
    %mul3A_0 = arith.muli %arg1, %mul3A : i32
    %add3A = arith.addi %mul3A_0, %arg0 : i32
    %iota3A = tpu.iota {dimensions = array<i32: 0>} : vector<16xi32>
    %mul3A_1 = arith.constant 416 : i32
    %mul3A_2 = arith.muli %add3A, %mul3A_1 : i32
    %add3A_3 = arith.constant 0 : i32
    %add3A_4 = arith.addi %mul3A_2, %add3A_3 : i32
    %jit3A = arith.constant 512 : i32
    %div3A = arith.divsi %add3A_4, %jit3A : i32
    %sign3A = arith.constant 0 : i32
    %sign3A_5 = arith.cmpi sgt, %add3A_4, %sign3A : i32
    %sign3A_6 = arith.extui %sign3A_5 : i1 to i32
    %sign3A_7 = arith.constant 0 : i32
    %sign3A_8 = arith.cmpi slt, %add3A_4, %sign3A_7 : i32
    %sign3A_9 = arith.extui %sign3A_8 : i1 to i32
    %sign3A_10 = arith.subi %sign3A_6, %sign3A_9 : i32
    %sign3A_11 = arith.constant 0 : i32
    %sign3A_12 = arith.cmpi sgt, %jit3A, %sign3A_11 : i32
    %sign3A_13 = arith.extui %sign3A_12 : i1 to i32
    %sign3A_14 = arith.constant 0 : i32
    %sign3A_15 = arith.cmpi slt, %jit3A, %sign3A_14 : i32
    %sign3A_16 = arith.extui %sign3A_15 : i1 to i32
    %sign3A_17 = arith.subi %sign3A_13, %sign3A_16 : i32
    %ne3A = arith.cmpi ne, %sign3A_10, %sign3A_17 : i32
    %rem3A = arith.remsi %add3A_4, %jit3A : i32
    %ne3A_18 = arith.constant 0 : i32
    %ne3A_19 = arith.cmpi ne, %rem3A, %ne3A_18 : i32
    %and3A = arith.andi %ne3A, %ne3A_19 : i1
    %sub3A = arith.constant 1 : i32
    %sub3A_20 = arith.subi %div3A, %sub3A : i32
    %select_n3A = arith.select %and3A, %sub3A_20, %div3A : i32
    %jit3A_21 = arith.constant 512 : i32
    %eq3A = arith.constant 0 : i32
    %eq3A_22 = arith.cmpi eq, %jit3A_21, %eq3A : i32
    %jit3A_23 = arith.constant 1 : i32
    %select_n3A_24 = arith.select %eq3A_22, %jit3A_23, %jit3A_21 : i32
    %rem3A_25 = arith.remsi %add3A_4, %select_n3A_24 : i32
    %ne3A_26 = arith.constant 0 : i32
    %ne3A_27 = arith.cmpi ne, %rem3A_25, %ne3A_26 : i32
    %lt3A = arith.constant 0 : i32
    %lt3A_28 = arith.cmpi slt, %rem3A_25, %lt3A : i32
    %lt3A_29 = arith.constant 0 : i32
    %lt3A_30 = arith.cmpi slt, %select_n3A_24, %lt3A_29 : i32
    %ne3A_31 = arith.xori %lt3A_28, %lt3A_30 : i1
    %and3A_32 = arith.andi %ne3A_31, %ne3A_27 : i1
    %add3A_33 = arith.addi %rem3A_25, %select_n3A_24 : i32
    %select_n3A_34 = arith.select %and3A_32, %add3A_33, %rem3A_25 : i32
    %mul3A_35 = arith.constant 16384 : i32
    %mul3A_36 = arith.muli %select_n3A, %mul3A_35 : i32
    %add3A_37 = arith.constant 0 : i32
    %add3A_38 = arith.addi %mul3A_36, %add3A_37 : i32
    %mul3A_39 = arith.constant 8 : i32
    %mul3A_40 = arith.muli %select_n3A_34, %mul3A_39 : i32
    %add3A_41 = arith.addi %add3A_38, %mul3A_40 : i32
    %dma_start3A = arith.constant 0 : i32
    %dma_start3A_42 = arith.constant 0 : i32
    %dma_start3A_43 = arith.constant 0 : i32
    %dma_start3A_44 = arith.constant 0 : i32
    %dma_start3A_45 = tpu.memref_slice %arg4[%dma_start3A, %dma_start3A_43, %dma_start3A_44] : memref<2x32x129xf32, #tpu.memory_space<vmem>> -> memref<1x8x128xf32, #tpu.memory_space<vmem>>
    %dma_start3A_46 = tpu.memref_squeeze %dma_start3A_45 : memref<1x8x128xf32, #tpu.memory_space<vmem>> -> memref<8x128xf32, #tpu.memory_space<vmem>>
    %dma_start3A_47 = arith.constant 0 : i32
    %dma_start3A_48 = tpu.memref_slice %arg2[%add3A_41, %dma_start3A_47] : memref<425984x128xf32, #tpu.memory_space<hbm>> -> memref<8x128xf32, #tpu.memory_space<hbm>>
    %dma_start3A_49 = tpu.memref_slice %arg6[%dma_start3A_42] : memref<2x!tpu.dma_semaphore, #tpu.memory_space<semaphore_mem>> -> memref<1x!tpu.dma_semaphore, #tpu.memory_space<semaphore_mem>>
    %dma_start3A_50 = tpu.memref_squeeze %dma_start3A_49 : memref<1x!tpu.dma_semaphore, #tpu.memory_space<semaphore_mem>> -> memref<!tpu.dma_semaphore, #tpu.memory_space<semaphore_mem>>
    %dma_start3A_51 = arith.constant 0 : i32
    %dma_start3A_52 = arith.constant 0 : i32
    %dma_start3A_53 = tpu.memref_slice %arg4[%dma_start3A, %dma_start3A_51, %dma_start3A_52] : memref<2x32x129xf32, #tpu.memory_space<vmem>> -> memref<1x8x128xf32, #tpu.memory_space<vmem>>
    %dma_start3A_54 = tpu.memref_squeeze %dma_start3A_53 : memref<1x8x128xf32, #tpu.memory_space<vmem>> -> memref<8x128xf32, #tpu.memory_space<vmem>>
    %dma_start3A_55 = arith.constant 0 : i32
    %dma_start3A_56 = tpu.memref_slice %arg2[%add3A_41, %dma_start3A_55] : memref<425984x128xf32, #tpu.memory_space<hbm>> -> memref<8x128xf32, #tpu.memory_space<hbm>>
    tpu.enqueue_dma source(%dma_start3A_56 : memref<8x128xf32, #tpu.memory_space<hbm>>) target(%dma_start3A_54 : memref<8x128xf32, #tpu.memory_space<vmem>>) target_semaphore(%dma_start3A_50 : memref<!tpu.dma_semaphore, #tpu.memory_space<semaphore_mem>>)
    %mul3A_57 = arith.constant 16384 : i32
    %mul3A_58 = arith.muli %select_n3A, %mul3A_57 : i32
    %add3A_59 = arith.constant 4096 : i32
    %add3A_60 = arith.addi %mul3A_58, %add3A_59 : i32
    %mul3A_61 = arith.constant 8 : i32
    %mul3A_62 = arith.muli %select_n3A_34, %mul3A_61 : i32
    %add3A_63 = arith.addi %add3A_60, %mul3A_62 : i32
    %dma_start3A_64 = arith.constant 0 : i32
    %dma_start3A_65 = arith.constant 0 : i32
    %dma_start3A_66 = arith.constant 8 : i32
    %dma_start3A_67 = arith.constant 0 : i32
    %dma_start3A_68 = tpu.memref_slice %arg4[%dma_start3A_64, %dma_start3A_66, %dma_start3A_67] : memref<2x32x129xf32, #tpu.memory_space<vmem>> -> memref<1x8x128xf32, #tpu.memory_space<vmem>>
    %dma_start3A_69 = tpu.memref_squeeze %dma_start3A_68 : memref<1x8x128xf32, #tpu.memory_space<vmem>> -> memref<8x128xf32, #tpu.memory_space<vmem>>
    %dma_start3A_70 = arith.constant 0 : i32
    %dma_start3A_71 = tpu.memref_slice %arg2[%add3A_63, %dma_start3A_70] : memref<425984x128xf32, #tpu.memory_space<hbm>> -> memref<8x128xf32, #tpu.memory_space<hbm>>
    %dma_start3A_72 = tpu.memref_slice %arg6[%dma_start3A_65] : memref<2x!tpu.dma_semaphore, #tpu.memory_space<semaphore_mem>> -> memref<1x!tpu.dma_semaphore, #tpu.memory_space<semaphore_mem>>
    %dma_start3A_73 = tpu.memref_squeeze %dma_start3A_72 : memref<1x!tpu.dma_semaphore, #tpu.memory_space<semaphore_mem>> -> memref<!tpu.dma_semaphore, #tpu.memory_space<semaphore_mem>>
    %dma_start3A_74 = arith.constant 8 : i32
    %dma_start3A_75 = arith.constant 0 : i32
    %dma_start3A_76 = tpu.memref_slice %arg4[%dma_start3A_64, %dma_start3A_74, %dma_start3A_75] : memref<2x32x129xf32, #tpu.memory_space<vmem>> -> memref<1x8x128xf32, #tpu.memory_space<vmem>>
    %dma_start3A_77 = tpu.memref_squeeze %dma_start3A_76 : memref<1x8x128xf32, #tpu.memory_space<vmem>> -> memref<8x128xf32, #tpu.memory_space<vmem>>
    %dma_start3A_78 = arith.constant 0 : i32
    %dma_start3A_79 = tpu.memref_slice %arg2[%add3A_63, %dma_start3A_78] : memref<425984x128xf32, #tpu.memory_space<hbm>> -> memref<8x128xf32, #tpu.memory_space<hbm>>
    tpu.enqueue_dma source(%dma_start3A_79 : memref<8x128xf32, #tpu.memory_space<hbm>>) target(%dma_start3A_77 : memref<8x128xf32, #tpu.memory_space<vmem>>) target_semaphore(%dma_start3A_73 : memref<!tpu.dma_semaphore, #tpu.memory_space<semaphore_mem>>)
    %mul3A_80 = arith.constant 16384 : i32
    %mul3A_81 = arith.muli %select_n3A, %mul3A_80 : i32
    %add3A_82 = arith.constant 8192 : i32
    %add3A_83 = arith.addi %mul3A_81, %add3A_82 : i32
    %mul3A_84 = arith.constant 8 : i32
    %mul3A_85 = arith.muli %select_n3A_34, %mul3A_84 : i32
    %add3A_86 = arith.addi %add3A_83, %mul3A_85 : i32
    %dma_start3A_87 = arith.constant 0 : i32
    %dma_start3A_88 = arith.constant 0 : i32
    %dma_start3A_89 = arith.constant 16 : i32
    %dma_start3A_90 = arith.constant 0 : i32
    %dma_start3A_91 = tpu.memref_slice %arg4[%dma_start3A_87, %dma_start3A_89, %dma_start3A_90] : memref<2x32x129xf32, #tpu.memory_space<vmem>> -> memref<1x8x128xf32, #tpu.memory_space<vmem>>
    %dma_start3A_92 = tpu.memref_squeeze %dma_start3A_91 : memref<1x8x128xf32, #tpu.memory_space<vmem>> -> memref<8x128xf32, #tpu.memory_space<vmem>>
    %dma_start3A_93 = arith.constant 0 : i32
    %dma_start3A_94 = tpu.memref_slice %arg2[%add3A_86, %dma_start3A_93] : memref<425984x128xf32, #tpu.memory_space<hbm>> -> memref<8x128xf32, #tpu.memory_space<hbm>>
    %dma_start3A_95 = tpu.memref_slice %arg6[%dma_start3A_88] : memref<2x!tpu.dma_semaphore, #tpu.memory_space<semaphore_mem>> -> memref<1x!tpu.dma_semaphore, #tpu.memory_space<semaphore_mem>>
    %dma_start3A_96 = tpu.memref_squeeze %dma_start3A_95 : memref<1x!tpu.dma_semaphore, #tpu.memory_space<semaphore_mem>> -> memref<!tpu.dma_semaphore, #tpu.memory_space<semaphore_mem>>
    %dma_start3A_97 = arith.constant 16 : i32
    %dma_start3A_98 = arith.constant 0 : i32
    %dma_start3A_99 = tpu.memref_slice %arg4[%dma_start3A_87, %dma_start3A_97, %dma_start3A_98] : memref<2x32x129xf32, #tpu.memory_space<vmem>> -> memref<1x8x128xf32, #tpu.memory_space<vmem>>
    %dma_start3A_100 = tpu.memref_squeeze %dma_start3A_99 : memref<1x8x128xf32, #tpu.memory_space<vmem>> -> memref<8x128xf32, #tpu.memory_space<vmem>>
    %dma_start3A_101 = arith.constant 0 : i32
    %dma_start3A_102 = tpu.memref_slice %arg2[%add3A_86, %dma_start3A_101] : memref<425984x128xf32, #tpu.memory_space<hbm>> -> memref<8x128xf32, #tpu.memory_space<hbm>>
    tpu.enqueue_dma source(%dma_start3A_102 : memref<8x128xf32, #tpu.memory_space<hbm>>) target(%dma_start3A_100 : memref<8x128xf32, #tpu.memory_space<vmem>>) target_semaphore(%dma_start3A_96 : memref<!tpu.dma_semaphore, #tpu.memory_space<semaphore_mem>>)
    %mul3A_103 = arith.constant 16384 : i32
    %mul3A_104 = arith.muli %select_n3A, %mul3A_103 : i32
    %add3A_105 = arith.constant 12288 : i32
    %add3A_106 = arith.addi %mul3A_104, %add3A_105 : i32
    %mul3A_107 = arith.constant 8 : i32
    %mul3A_108 = arith.muli %select_n3A_34, %mul3A_107 : i32
    %add3A_109 = arith.addi %add3A_106, %mul3A_108 : i32
    %dma_start3A_110 = arith.constant 0 : i32
    %dma_start3A_111 = arith.constant 0 : i32
    %dma_start3A_112 = arith.constant 24 : i32
    %dma_start3A_113 = arith.constant 0 : i32
    %dma_start3A_114 = tpu.memref_slice %arg4[%dma_start3A_110, %dma_start3A_112, %dma_start3A_113] : memref<2x32x129xf32, #tpu.memory_space<vmem>> -> memref<1x8x128xf32, #tpu.memory_space<vmem>>
    %dma_start3A_115 = tpu.memref_squeeze %dma_start3A_114 : memref<1x8x128xf32, #tpu.memory_space<vmem>> -> memref<8x128xf32, #tpu.memory_space<vmem>>
    %dma_start3A_116 = arith.constant 0 : i32
    %dma_start3A_117 = tpu.memref_slice %arg2[%add3A_109, %dma_start3A_116] : memref<425984x128xf32, #tpu.memory_space<hbm>> -> memref<8x128xf32, #tpu.memory_space<hbm>>
    %dma_start3A_118 = tpu.memref_slice %arg6[%dma_start3A_111] : memref<2x!tpu.dma_semaphore, #tpu.memory_space<semaphore_mem>> -> memref<1x!tpu.dma_semaphore, #tpu.memory_space<semaphore_mem>>
    %dma_start3A_119 = tpu.memref_squeeze %dma_start3A_118 : memref<1x!tpu.dma_semaphore, #tpu.memory_space<semaphore_mem>> -> memref<!tpu.dma_semaphore, #tpu.memory_space<semaphore_mem>>
    %dma_start3A_120 = arith.constant 24 : i32
    %dma_start3A_121 = arith.constant 0 : i32
    %dma_start3A_122 = tpu.memref_slice %arg4[%dma_start3A_110, %dma_start3A_120, %dma_start3A_121] : memref<2x32x129xf32, #tpu.memory_space<vmem>> -> memref<1x8x128xf32, #tpu.memory_space<vmem>>
    %dma_start3A_123 = tpu.memref_squeeze %dma_start3A_122 : memref<1x8x128xf32, #tpu.memory_space<vmem>> -> memref<8x128xf32, #tpu.memory_space<vmem>>
    %dma_start3A_124 = arith.constant 0 : i32
    %dma_start3A_125 = tpu.memref_slice %arg2[%add3A_109, %dma_start3A_124] : memref<425984x128xf32, #tpu.memory_space<hbm>> -> memref<8x128xf32, #tpu.memory_space<hbm>>
    tpu.enqueue_dma source(%dma_start3A_125 : memref<8x128xf32, #tpu.memory_space<hbm>>) target(%dma_start3A_123 : memref<8x128xf32, #tpu.memory_space<vmem>>) target_semaphore(%dma_start3A_119 : memref<!tpu.dma_semaphore, #tpu.memory_space<semaphore_mem>>)
    %scan3A = arith.constant 0 : i32
    %scan3A_126 = arith.constant 0 : i32
    %scan3A_127 = arith.constant 416 : i32
    %scan3A_128 = arith.addi %scan3A_126, %scan3A_127 : i32
    %scan3A_129 = arith.constant 1 : i32
    scf.for %scan3A_166 = %scan3A_126 to %scan3A_128 step %scan3A_129  : i32 {
      %jit3A_167 = arith.constant 2 : i32
      %eq3A_168 = arith.constant 0 : i32
      %eq3A_169 = arith.cmpi eq, %jit3A_167, %eq3A_168 : i32
      %jit3A_170 = arith.constant 1 : i32
      %select_n3A_171 = arith.select %eq3A_169, %jit3A_170, %jit3A_167 : i32
      %rem3A_172 = arith.remsi %scan3A_166, %select_n3A_171 : i32
      %ne3A_173 = arith.constant 0 : i32
      %ne3A_174 = arith.cmpi ne, %rem3A_172, %ne3A_173 : i32
      %lt3A_175 = arith.constant 0 : i32
      %lt3A_176 = arith.cmpi slt, %rem3A_172, %lt3A_175 : i32
      %lt3A_177 = arith.constant 0 : i32
      %lt3A_178 = arith.cmpi slt, %select_n3A_171, %lt3A_177 : i32
      %ne3A_179 = arith.xori %lt3A_176, %lt3A_178 : i1
      %and3A_180 = arith.andi %ne3A_179, %ne3A_174 : i1
      %add3A_181 = arith.addi %rem3A_172, %select_n3A_171 : i32
      %select_n3A_182 = arith.select %and3A_180, %add3A_181, %rem3A_172 : i32
      %add3A_183 = arith.constant 1 : i32
      %add3A_184 = arith.addi %scan3A_166, %add3A_183 : i32
      %lt3A_185 = arith.constant 416 : i32
      %lt3A_186 = arith.cmpi slt, %add3A_184, %lt3A_185 : i32
      %convert_element_type3A = arith.extui %lt3A_186 : i1 to i32
      %cond3A = arith.constant 0 : i32
      %cond3A_187 = arith.cmpi ne, %convert_element_type3A, %cond3A : i32
      scf.if %cond3A_187 {
        %add3A_323 = arith.constant 1 : i32
        %add3A_324 = arith.addi %scan3A_166, %add3A_323 : i32
        %add3A_325 = arith.constant 1 : i32
        %add3A_326 = arith.addi %scan3A_166, %add3A_325 : i32
        %jit3A_327 = arith.constant 2 : i32
        %eq3A_328 = arith.constant 0 : i32
        %eq3A_329 = arith.cmpi eq, %jit3A_327, %eq3A_328 : i32
        %jit3A_330 = arith.constant 1 : i32
        %select_n3A_331 = arith.select %eq3A_329, %jit3A_330, %jit3A_327 : i32
        %rem3A_332 = arith.remsi %add3A_326, %select_n3A_331 : i32
        %ne3A_333 = arith.constant 0 : i32
        %ne3A_334 = arith.cmpi ne, %rem3A_332, %ne3A_333 : i32
        %lt3A_335 = arith.constant 0 : i32
        %lt3A_336 = arith.cmpi slt, %rem3A_332, %lt3A_335 : i32
        %lt3A_337 = arith.constant 0 : i32
        %lt3A_338 = arith.cmpi slt, %select_n3A_331, %lt3A_337 : i32
        %ne3A_339 = arith.xori %lt3A_336, %lt3A_338 : i1
        %and3A_340 = arith.andi %ne3A_339, %ne3A_334 : i1
        %add3A_341 = arith.addi %rem3A_332, %select_n3A_331 : i32
        %select_n3A_342 = arith.select %and3A_340, %add3A_341, %rem3A_332 : i32
        %add3A_343 = arith.addi %mul3A_2, %add3A_324 : i32
        %jit3A_344 = arith.constant 512 : i32
        %div3A_345 = arith.divsi %add3A_343, %jit3A_344 : i32
        %sign3A_346 = arith.constant 0 : i32
        %sign3A_347 = arith.cmpi sgt, %add3A_343, %sign3A_346 : i32
        %sign3A_348 = arith.extui %sign3A_347 : i1 to i32
        %sign3A_349 = arith.constant 0 : i32
        %sign3A_350 = arith.cmpi slt, %add3A_343, %sign3A_349 : i32
        %sign3A_351 = arith.extui %sign3A_350 : i1 to i32
        %sign3A_352 = arith.subi %sign3A_348, %sign3A_351 : i32
        %sign3A_353 = arith.constant 0 : i32
        %sign3A_354 = arith.cmpi sgt, %jit3A_344, %sign3A_353 : i32
        %sign3A_355 = arith.extui %sign3A_354 : i1 to i32
        %sign3A_356 = arith.constant 0 : i32
        %sign3A_357 = arith.cmpi slt, %jit3A_344, %sign3A_356 : i32
        %sign3A_358 = arith.extui %sign3A_357 : i1 to i32
        %sign3A_359 = arith.subi %sign3A_355, %sign3A_358 : i32
        %ne3A_360 = arith.cmpi ne, %sign3A_352, %sign3A_359 : i32
        %rem3A_361 = arith.remsi %add3A_343, %jit3A_344 : i32
        %ne3A_362 = arith.constant 0 : i32
        %ne3A_363 = arith.cmpi ne, %rem3A_361, %ne3A_362 : i32
        %and3A_364 = arith.andi %ne3A_360, %ne3A_363 : i1
        %sub3A_365 = arith.constant 1 : i32
        %sub3A_366 = arith.subi %div3A_345, %sub3A_365 : i32
        %select_n3A_367 = arith.select %and3A_364, %sub3A_366, %div3A_345 : i32
        %jit3A_368 = arith.constant 512 : i32
        %eq3A_369 = arith.constant 0 : i32
        %eq3A_370 = arith.cmpi eq, %jit3A_368, %eq3A_369 : i32
        %jit3A_371 = arith.constant 1 : i32
        %select_n3A_372 = arith.select %eq3A_370, %jit3A_371, %jit3A_368 : i32
        %rem3A_373 = arith.remsi %add3A_343, %select_n3A_372 : i32
        %ne3A_374 = arith.constant 0 : i32
        %ne3A_375 = arith.cmpi ne, %rem3A_373, %ne3A_374 : i32
        %lt3A_376 = arith.constant 0 : i32
        %lt3A_377 = arith.cmpi slt, %rem3A_373, %lt3A_376 : i32
        %lt3A_378 = arith.constant 0 : i32
        %lt3A_379 = arith.cmpi slt, %select_n3A_372, %lt3A_378 : i32
        %ne3A_380 = arith.xori %lt3A_377, %lt3A_379 : i1
        %and3A_381 = arith.andi %ne3A_380, %ne3A_375 : i1
        %add3A_382 = arith.addi %rem3A_373, %select_n3A_372 : i32
        %select_n3A_383 = arith.select %and3A_381, %add3A_382, %rem3A_373 : i32
        %mul3A_384 = arith.constant 16384 : i32
        %mul3A_385 = arith.muli %select_n3A_367, %mul3A_384 : i32
        %add3A_386 = arith.constant 0 : i32
        %add3A_387 = arith.addi %mul3A_385, %add3A_386 : i32
        %mul3A_388 = arith.constant 8 : i32
        %mul3A_389 = arith.muli %select_n3A_383, %mul3A_388 : i32
        %add3A_390 = arith.addi %add3A_387, %mul3A_389 : i32
        %dma_start3A_391 = arith.constant 0 : i32
        %dma_start3A_392 = arith.constant 0 : i32
        %dma_start3A_393 = tpu.memref_slice %arg4[%select_n3A_342, %dma_start3A_391, %dma_start3A_392] : memref<2x32x129xf32, #tpu.memory_space<vmem>> -> memref<1x8x128xf32, #tpu.memory_space<vmem>>
        %dma_start3A_394 = tpu.memref_squeeze %dma_start3A_393 : memref<1x8x128xf32, #tpu.memory_space<vmem>> -> memref<8x128xf32, #tpu.memory_space<vmem>>
        %dma_start3A_395 = arith.constant 0 : i32
        %dma_start3A_396 = tpu.memref_slice %arg2[%add3A_390, %dma_start3A_395] : memref<425984x128xf32, #tpu.memory_space<hbm>> -> memref<8x128xf32, #tpu.memory_space<hbm>>
        %dma_start3A_397 = tpu.memref_slice %arg6[%select_n3A_342] : memref<2x!tpu.dma_semaphore, #tpu.memory_space<semaphore_mem>> -> memref<1x!tpu.dma_semaphore, #tpu.memory_space<semaphore_mem>>
        %dma_start3A_398 = tpu.memref_squeeze %dma_start3A_397 : memref<1x!tpu.dma_semaphore, #tpu.memory_space<semaphore_mem>> -> memref<!tpu.dma_semaphore, #tpu.memory_space<semaphore_mem>>
        %dma_start3A_399 = arith.constant 0 : i32
        %dma_start3A_400 = arith.constant 0 : i32
        %dma_start3A_401 = tpu.memref_slice %arg4[%select_n3A_342, %dma_start3A_399, %dma_start3A_400] : memref<2x32x129xf32, #tpu.memory_space<vmem>> -> memref<1x8x128xf32, #tpu.memory_space<vmem>>
        %dma_start3A_402 = tpu.memref_squeeze %dma_start3A_401 : memref<1x8x128xf32, #tpu.memory_space<vmem>> -> memref<8x128xf32, #tpu.memory_space<vmem>>
        %dma_start3A_403 = arith.constant 0 : i32
        %dma_start3A_404 = tpu.memref_slice %arg2[%add3A_390, %dma_start3A_403] : memref<425984x128xf32, #tpu.memory_space<hbm>> -> memref<8x128xf32, #tpu.memory_space<hbm>>
        tpu.enqueue_dma source(%dma_start3A_404 : memref<8x128xf32, #tpu.memory_space<hbm>>) target(%dma_start3A_402 : memref<8x128xf32, #tpu.memory_space<vmem>>) target_semaphore(%dma_start3A_398 : memref<!tpu.dma_semaphore, #tpu.memory_space<semaphore_mem>>)
        %mul3A_405 = arith.constant 16384 : i32
        %mul3A_406 = arith.muli %select_n3A_367, %mul3A_405 : i32
        %add3A_407 = arith.constant 4096 : i32
        %add3A_408 = arith.addi %mul3A_406, %add3A_407 : i32
        %mul3A_409 = arith.constant 8 : i32
        %mul3A_410 = arith.muli %select_n3A_383, %mul3A_409 : i32
        %add3A_411 = arith.addi %add3A_408, %mul3A_410 : i32
        %dma_start3A_412 = arith.constant 8 : i32
        %dma_start3A_413 = arith.constant 0 : i32
        %dma_start3A_414 = tpu.memref_slice %arg4[%select_n3A_342, %dma_start3A_412, %dma_start3A_413] : memref<2x32x129xf32, #tpu.memory_space<vmem>> -> memref<1x8x128xf32, #tpu.memory_space<vmem>>
        %dma_start3A_415 = tpu.memref_squeeze %dma_start3A_414 : memref<1x8x128xf32, #tpu.memory_space<vmem>> -> memref<8x128xf32, #tpu.memory_space<vmem>>
        %dma_start3A_416 = arith.constant 0 : i32
        %dma_start3A_417 = tpu.memref_slice %arg2[%add3A_411, %dma_start3A_416] : memref<425984x128xf32, #tpu.memory_space<hbm>> -> memref<8x128xf32, #tpu.memory_space<hbm>>
        %dma_start3A_418 = tpu.memref_slice %arg6[%select_n3A_342] : memref<2x!tpu.dma_semaphore, #tpu.memory_space<semaphore_mem>> -> memref<1x!tpu.dma_semaphore, #tpu.memory_space<semaphore_mem>>
        %dma_start3A_419 = tpu.memref_squeeze %dma_start3A_418 : memref<1x!tpu.dma_semaphore, #tpu.memory_space<semaphore_mem>> -> memref<!tpu.dma_semaphore, #tpu.memory_space<semaphore_mem>>
        %dma_start3A_420 = arith.constant 8 : i32
        %dma_start3A_421 = arith.constant 0 : i32
        %dma_start3A_422 = tpu.memref_slice %arg4[%select_n3A_342, %dma_start3A_420, %dma_start3A_421] : memref<2x32x129xf32, #tpu.memory_space<vmem>> -> memref<1x8x128xf32, #tpu.memory_space<vmem>>
        %dma_start3A_423 = tpu.memref_squeeze %dma_start3A_422 : memref<1x8x128xf32, #tpu.memory_space<vmem>> -> memref<8x128xf32, #tpu.memory_space<vmem>>
        %dma_start3A_424 = arith.constant 0 : i32
        %dma_start3A_425 = tpu.memref_slice %arg2[%add3A_411, %dma_start3A_424] : memref<425984x128xf32, #tpu.memory_space<hbm>> -> memref<8x128xf32, #tpu.memory_space<hbm>>
        tpu.enqueue_dma source(%dma_start3A_425 : memref<8x128xf32, #tpu.memory_space<hbm>>) target(%dma_start3A_423 : memref<8x128xf32, #tpu.memory_space<vmem>>) target_semaphore(%dma_start3A_419 : memref<!tpu.dma_semaphore, #tpu.memory_space<semaphore_mem>>)
        %mul3A_426 = arith.constant 16384 : i32
        %mul3A_427 = arith.muli %select_n3A_367, %mul3A_426 : i32
        %add3A_428 = arith.constant 8192 : i32
        %add3A_429 = arith.addi %mul3A_427, %add3A_428 : i32
        %mul3A_430 = arith.constant 8 : i32
        %mul3A_431 = arith.muli %select_n3A_383, %mul3A_430 : i32
        %add3A_432 = arith.addi %add3A_429, %mul3A_431 : i32
        %dma_start3A_433 = arith.constant 16 : i32
        %dma_start3A_434 = arith.constant 0 : i32
        %dma_start3A_435 = tpu.memref_slice %arg4[%select_n3A_342, %dma_start3A_433, %dma_start3A_434] : memref<2x32x129xf32, #tpu.memory_space<vmem>> -> memref<1x8x128xf32, #tpu.memory_space<vmem>>
        %dma_start3A_436 = tpu.memref_squeeze %dma_start3A_435 : memref<1x8x128xf32, #tpu.memory_space<vmem>> -> memref<8x128xf32, #tpu.memory_space<vmem>>
        %dma_start3A_437 = arith.constant 0 : i32
        %dma_start3A_438 = tpu.memref_slice %arg2[%add3A_432, %dma_start3A_437] : memref<425984x128xf32, #tpu.memory_space<hbm>> -> memref<8x128xf32, #tpu.memory_space<hbm>>
        %dma_start3A_439 = tpu.memref_slice %arg6[%select_n3A_342] : memref<2x!tpu.dma_semaphore, #tpu.memory_space<semaphore_mem>> -> memref<1x!tpu.dma_semaphore, #tpu.memory_space<semaphore_mem>>
        %dma_start3A_440 = tpu.memref_squeeze %dma_start3A_439 : memref<1x!tpu.dma_semaphore, #tpu.memory_space<semaphore_mem>> -> memref<!tpu.dma_semaphore, #tpu.memory_space<semaphore_mem>>
        %dma_start3A_441 = arith.constant 16 : i32
        %dma_start3A_442 = arith.constant 0 : i32
        %dma_start3A_443 = tpu.memref_slice %arg4[%select_n3A_342, %dma_start3A_441, %dma_start3A_442] : memref<2x32x129xf32, #tpu.memory_space<vmem>> -> memref<1x8x128xf32, #tpu.memory_space<vmem>>
        %dma_start3A_444 = tpu.memref_squeeze %dma_start3A_443 : memref<1x8x128xf32, #tpu.memory_space<vmem>> -> memref<8x128xf32, #tpu.memory_space<vmem>>
        %dma_start3A_445 = arith.constant 0 : i32
        %dma_start3A_446 = tpu.memref_slice %arg2[%add3A_432, %dma_start3A_445] : memref<425984x128xf32, #tpu.memory_space<hbm>> -> memref<8x128xf32, #tpu.memory_space<hbm>>
        tpu.enqueue_dma source(%dma_start3A_446 : memref<8x128xf32, #tpu.memory_space<hbm>>) target(%dma_start3A_444 : memref<8x128xf32, #tpu.memory_space<vmem>>) target_semaphore(%dma_start3A_440 : memref<!tpu.dma_semaphore, #tpu.memory_space<semaphore_mem>>)
        %mul3A_447 = arith.constant 16384 : i32
        %mul3A_448 = arith.muli %select_n3A_367, %mul3A_447 : i32
        %add3A_449 = arith.constant 12288 : i32
        %add3A_450 = arith.addi %mul3A_448, %add3A_449 : i32
        %mul3A_451 = arith.constant 8 : i32
        %mul3A_452 = arith.muli %select_n3A_383, %mul3A_451 : i32
        %add3A_453 = arith.addi %add3A_450, %mul3A_452 : i32
        %dma_start3A_454 = arith.constant 24 : i32
        %dma_start3A_455 = arith.constant 0 : i32
        %dma_start3A_456 = tpu.memref_slice %arg4[%select_n3A_342, %dma_start3A_454, %dma_start3A_455] : memref<2x32x129xf32, #tpu.memory_space<vmem>> -> memref<1x8x128xf32, #tpu.memory_space<vmem>>
        %dma_start3A_457 = tpu.memref_squeeze %dma_start3A_456 : memref<1x8x128xf32, #tpu.memory_space<vmem>> -> memref<8x128xf32, #tpu.memory_space<vmem>>
        %dma_start3A_458 = arith.constant 0 : i32
        %dma_start3A_459 = tpu.memref_slice %arg2[%add3A_453, %dma_start3A_458] : memref<425984x128xf32, #tpu.memory_space<hbm>> -> memref<8x128xf32, #tpu.memory_space<hbm>>
        %dma_start3A_460 = tpu.memref_slice %arg6[%select_n3A_342] : memref<2x!tpu.dma_semaphore, #tpu.memory_space<semaphore_mem>> -> memref<1x!tpu.dma_semaphore, #tpu.memory_space<semaphore_mem>>
        %dma_start3A_461 = tpu.memref_squeeze %dma_start3A_460 : memref<1x!tpu.dma_semaphore, #tpu.memory_space<semaphore_mem>> -> memref<!tpu.dma_semaphore, #tpu.memory_space<semaphore_mem>>
        %dma_start3A_462 = arith.constant 24 : i32
        %dma_start3A_463 = arith.constant 0 : i32
        %dma_start3A_464 = tpu.memref_slice %arg4[%select_n3A_342, %dma_start3A_462, %dma_start3A_463] : memref<2x32x129xf32, #tpu.memory_space<vmem>> -> memref<1x8x128xf32, #tpu.memory_space<vmem>>
        %dma_start3A_465 = tpu.memref_squeeze %dma_start3A_464 : memref<1x8x128xf32, #tpu.memory_space<vmem>> -> memref<8x128xf32, #tpu.memory_space<vmem>>
        %dma_start3A_466 = arith.constant 0 : i32
        %dma_start3A_467 = tpu.memref_slice %arg2[%add3A_453, %dma_start3A_466] : memref<425984x128xf32, #tpu.memory_space<hbm>> -> memref<8x128xf32, #tpu.memory_space<hbm>>
        tpu.enqueue_dma source(%dma_start3A_467 : memref<8x128xf32, #tpu.memory_space<hbm>>) target(%dma_start3A_465 : memref<8x128xf32, #tpu.memory_space<vmem>>) target_semaphore(%dma_start3A_461 : memref<!tpu.dma_semaphore, #tpu.memory_space<semaphore_mem>>)
      } else {
      }
      %dma_wait3A_188 = arith.constant 0 : i32
      %dma_wait3A_189 = arith.constant 0 : i32
      %dma_wait3A_190 = tpu.memref_slice %arg4[%select_n3A_182, %dma_wait3A_188, %dma_wait3A_189] : memref<2x32x129xf32, #tpu.memory_space<vmem>> -> memref<1x8x128xf32, #tpu.memory_space<vmem>>
      %dma_wait3A_191 = tpu.memref_squeeze %dma_wait3A_190 : memref<1x8x128xf32, #tpu.memory_space<vmem>> -> memref<8x128xf32, #tpu.memory_space<vmem>>
      %dma_wait3A_192 = arith.constant 0 : i32
      %dma_wait3A_193 = arith.constant 0 : i32
      %dma_wait3A_194 = tpu.memref_slice %arg2[%dma_wait3A_192, %dma_wait3A_193] : memref<425984x128xf32, #tpu.memory_space<hbm>> -> memref<8x128xf32, #tpu.memory_space<hbm>>
      %dma_wait3A_195 = tpu.memref_slice %arg6[%select_n3A_182] : memref<2x!tpu.dma_semaphore, #tpu.memory_space<semaphore_mem>> -> memref<1x!tpu.dma_semaphore, #tpu.memory_space<semaphore_mem>>
      %dma_wait3A_196 = tpu.memref_squeeze %dma_wait3A_195 : memref<1x!tpu.dma_semaphore, #tpu.memory_space<semaphore_mem>> -> memref<!tpu.dma_semaphore, #tpu.memory_space<semaphore_mem>>
      %dma_wait3A_197 = arith.constant 0 : i32
      %dma_wait3A_198 = arith.constant 0 : i32
      %dma_wait3A_199 = tpu.memref_slice %arg4[%select_n3A_182, %dma_wait3A_197, %dma_wait3A_198] : memref<2x32x129xf32, #tpu.memory_space<vmem>> -> memref<1x8x128xf32, #tpu.memory_space<vmem>>
      %dma_wait3A_200 = tpu.memref_squeeze %dma_wait3A_199 : memref<1x8x128xf32, #tpu.memory_space<vmem>> -> memref<8x128xf32, #tpu.memory_space<vmem>>
      %dma_wait3A_201 = arith.constant 0 : i32
      %dma_wait3A_202 = arith.constant 0 : i32
      %dma_wait3A_203 = tpu.memref_slice %arg2[%dma_wait3A_201, %dma_wait3A_202] : memref<425984x128xf32, #tpu.memory_space<hbm>> -> memref<8x128xf32, #tpu.memory_space<hbm>>
      tpu.wait_dma2 semaphore(%dma_wait3A_196 : memref<!tpu.dma_semaphore, #tpu.memory_space<semaphore_mem>>) src(%dma_wait3A_203 : memref<8x128xf32, #tpu.memory_space<hbm>>) dst(%dma_wait3A_200 : memref<8x128xf32, #tpu.memory_space<vmem>>)
      %dma_wait3A_204 = arith.constant 0 : i32
      %dma_wait3A_205 = arith.constant 0 : i32
      %dma_wait3A_206 = tpu.memref_slice %arg4[%select_n3A_182, %dma_wait3A_204, %dma_wait3A_205] : memref<2x32x129xf32, #tpu.memory_space<vmem>> -> memref<1x8x128xf32, #tpu.memory_space<vmem>>
      %dma_wait3A_207 = tpu.memref_squeeze %dma_wait3A_206 : memref<1x8x128xf32, #tpu.memory_space<vmem>> -> memref<8x128xf32, #tpu.memory_space<vmem>>
      %dma_wait3A_208 = arith.constant 0 : i32
      %dma_wait3A_209 = arith.constant 0 : i32
      %dma_wait3A_210 = tpu.memref_slice %arg2[%dma_wait3A_208, %dma_wait3A_209] : memref<425984x128xf32, #tpu.memory_space<hbm>> -> memref<8x128xf32, #tpu.memory_space<hbm>>
      %dma_wait3A_211 = tpu.memref_slice %arg6[%select_n3A_182] : memref<2x!tpu.dma_semaphore, #tpu.memory_space<semaphore_mem>> -> memref<1x!tpu.dma_semaphore, #tpu.memory_space<semaphore_mem>>
      %dma_wait3A_212 = tpu.memref_squeeze %dma_wait3A_211 : memref<1x!tpu.dma_semaphore, #tpu.memory_space<semaphore_mem>> -> memref<!tpu.dma_semaphore, #tpu.memory_space<semaphore_mem>>
      %dma_wait3A_213 = arith.constant 0 : i32
      %dma_wait3A_214 = arith.constant 0 : i32
      %dma_wait3A_215 = tpu.memref_slice %arg4[%select_n3A_182, %dma_wait3A_213, %dma_wait3A_214] : memref<2x32x129xf32, #tpu.memory_space<vmem>> -> memref<1x8x128xf32, #tpu.memory_space<vmem>>
      %dma_wait3A_216 = tpu.memref_squeeze %dma_wait3A_215 : memref<1x8x128xf32, #tpu.memory_space<vmem>> -> memref<8x128xf32, #tpu.memory_space<vmem>>
      %dma_wait3A_217 = arith.constant 0 : i32
      %dma_wait3A_218 = arith.constant 0 : i32
      %dma_wait3A_219 = tpu.memref_slice %arg2[%dma_wait3A_217, %dma_wait3A_218] : memref<425984x128xf32, #tpu.memory_space<hbm>> -> memref<8x128xf32, #tpu.memory_space<hbm>>
      tpu.wait_dma2 semaphore(%dma_wait3A_212 : memref<!tpu.dma_semaphore, #tpu.memory_space<semaphore_mem>>) src(%dma_wait3A_219 : memref<8x128xf32, #tpu.memory_space<hbm>>) dst(%dma_wait3A_216 : memref<8x128xf32, #tpu.memory_space<vmem>>)
      %dma_wait3A_220 = arith.constant 0 : i32
      %dma_wait3A_221 = arith.constant 0 : i32
      %dma_wait3A_222 = tpu.memref_slice %arg4[%select_n3A_182, %dma_wait3A_220, %dma_wait3A_221] : memref<2x32x129xf32, #tpu.memory_space<vmem>> -> memref<1x8x128xf32, #tpu.memory_space<vmem>>
      %dma_wait3A_223 = tpu.memref_squeeze %dma_wait3A_222 : memref<1x8x128xf32, #tpu.memory_space<vmem>> -> memref<8x128xf32, #tpu.memory_space<vmem>>
      %dma_wait3A_224 = arith.constant 0 : i32
      %dma_wait3A_225 = arith.constant 0 : i32
      %dma_wait3A_226 = tpu.memref_slice %arg2[%dma_wait3A_224, %dma_wait3A_225] : memref<425984x128xf32, #tpu.memory_space<hbm>> -> memref<8x128xf32, #tpu.memory_space<hbm>>
      %dma_wait3A_227 = tpu.memref_slice %arg6[%select_n3A_182] : memref<2x!tpu.dma_semaphore, #tpu.memory_space<semaphore_mem>> -> memref<1x!tpu.dma_semaphore, #tpu.memory_space<semaphore_mem>>
      %dma_wait3A_228 = tpu.memref_squeeze %dma_wait3A_227 : memref<1x!tpu.dma_semaphore, #tpu.memory_space<semaphore_mem>> -> memref<!tpu.dma_semaphore, #tpu.memory_space<semaphore_mem>>
      %dma_wait3A_229 = arith.constant 0 : i32
      %dma_wait3A_230 = arith.constant 0 : i32
      %dma_wait3A_231 = tpu.memref_slice %arg4[%select_n3A_182, %dma_wait3A_229, %dma_wait3A_230] : memref<2x32x129xf32, #tpu.memory_space<vmem>> -> memref<1x8x128xf32, #tpu.memory_space<vmem>>
      %dma_wait3A_232 = tpu.memref_squeeze %dma_wait3A_231 : memref<1x8x128xf32, #tpu.memory_space<vmem>> -> memref<8x128xf32, #tpu.memory_space<vmem>>
      %dma_wait3A_233 = arith.constant 0 : i32
      %dma_wait3A_234 = arith.constant 0 : i32
      %dma_wait3A_235 = tpu.memref_slice %arg2[%dma_wait3A_233, %dma_wait3A_234] : memref<425984x128xf32, #tpu.memory_space<hbm>> -> memref<8x128xf32, #tpu.memory_space<hbm>>
      tpu.wait_dma2 semaphore(%dma_wait3A_228 : memref<!tpu.dma_semaphore, #tpu.memory_space<semaphore_mem>>) src(%dma_wait3A_235 : memref<8x128xf32, #tpu.memory_space<hbm>>) dst(%dma_wait3A_232 : memref<8x128xf32, #tpu.memory_space<vmem>>)
      %dma_wait3A_236 = arith.constant 0 : i32
      %dma_wait3A_237 = arith.constant 0 : i32
      %dma_wait3A_238 = tpu.memref_slice %arg4[%select_n3A_182, %dma_wait3A_236, %dma_wait3A_237] : memref<2x32x129xf32, #tpu.memory_space<vmem>> -> memref<1x8x128xf32, #tpu.memory_space<vmem>>
      %dma_wait3A_239 = tpu.memref_squeeze %dma_wait3A_238 : memref<1x8x128xf32, #tpu.memory_space<vmem>> -> memref<8x128xf32, #tpu.memory_space<vmem>>
      %dma_wait3A_240 = arith.constant 0 : i32
      %dma_wait3A_241 = arith.constant 0 : i32
      %dma_wait3A_242 = tpu.memref_slice %arg2[%dma_wait3A_240, %dma_wait3A_241] : memref<425984x128xf32, #tpu.memory_space<hbm>> -> memref<8x128xf32, #tpu.memory_space<hbm>>
      %dma_wait3A_243 = tpu.memref_slice %arg6[%select_n3A_182] : memref<2x!tpu.dma_semaphore, #tpu.memory_space<semaphore_mem>> -> memref<1x!tpu.dma_semaphore, #tpu.memory_space<semaphore_mem>>
      %dma_wait3A_244 = tpu.memref_squeeze %dma_wait3A_243 : memref<1x!tpu.dma_semaphore, #tpu.memory_space<semaphore_mem>> -> memref<!tpu.dma_semaphore, #tpu.memory_space<semaphore_mem>>
      %dma_wait3A_245 = arith.constant 0 : i32
      %dma_wait3A_246 = arith.constant 0 : i32
      %dma_wait3A_247 = tpu.memref_slice %arg4[%select_n3A_182, %dma_wait3A_245, %dma_wait3A_246] : memref<2x32x129xf32, #tpu.memory_space<vmem>> -> memref<1x8x128xf32, #tpu.memory_space<vmem>>
      %dma_wait3A_248 = tpu.memref_squeeze %dma_wait3A_247 : memref<1x8x128xf32, #tpu.memory_space<vmem>> -> memref<8x128xf32, #tpu.memory_space<vmem>>
      %dma_wait3A_249 = arith.constant 0 : i32
      %dma_wait3A_250 = arith.constant 0 : i32
      %dma_wait3A_251 = tpu.memref_slice %arg2[%dma_wait3A_249, %dma_wait3A_250] : memref<425984x128xf32, #tpu.memory_space<hbm>> -> memref<8x128xf32, #tpu.memory_space<hbm>>
      tpu.wait_dma2 semaphore(%dma_wait3A_244 : memref<!tpu.dma_semaphore, #tpu.memory_space<semaphore_mem>>) src(%dma_wait3A_251 : memref<8x128xf32, #tpu.memory_space<hbm>>) dst(%dma_wait3A_248 : memref<8x128xf32, #tpu.memory_space<vmem>>)
      %gt3A = arith.constant 1 : i32
      %gt3A_252 = arith.cmpi sgt, %scan3A_166, %gt3A : i32
      %convert_element_type3A_253 = arith.extui %gt3A_252 : i1 to i32
      %cond3A_254 = arith.constant 0 : i32
      %cond3A_255 = arith.cmpi ne, %convert_element_type3A_253, %cond3A_254 : i32
      scf.if %cond3A_255 {
        %dma_wait3A_323 = arith.constant 0 : i32
        %dma_wait3A_324 = arith.constant 0 : i32
        %dma_wait3A_325 = tpu.memref_slice %arg5[%select_n3A_182, %dma_wait3A_323, %dma_wait3A_324] : memref<2x128x32xf32, #tpu.memory_space<vmem>> -> memref<1x128x32xf32, #tpu.memory_space<vmem>>
        %dma_wait3A_326 = tpu.memref_squeeze %dma_wait3A_325 : memref<1x128x32xf32, #tpu.memory_space<vmem>> -> memref<128x32xf32, #tpu.memory_space<vmem>>
        %dma_wait3A_327 = arith.constant 0 : i32
        %dma_wait3A_328 = arith.constant 0 : i32
        %dma_wait3A_329 = tpu.memref_slice %arg3[%dma_wait3A_327, %dma_wait3A_328] : memref<1703936x32xf32, #tpu.memory_space<hbm>> -> memref<128x32xf32, #tpu.memory_space<hbm>>
        %dma_wait3A_330 = tpu.memref_slice %arg7[%select_n3A_182] : memref<2x!tpu.dma_semaphore, #tpu.memory_space<semaphore_mem>> -> memref<1x!tpu.dma_semaphore, #tpu.memory_space<semaphore_mem>>
        %dma_wait3A_331 = tpu.memref_squeeze %dma_wait3A_330 : memref<1x!tpu.dma_semaphore, #tpu.memory_space<semaphore_mem>> -> memref<!tpu.dma_semaphore, #tpu.memory_space<semaphore_mem>>
        %dma_wait3A_332 = arith.constant 0 : i32
        %dma_wait3A_333 = arith.constant 0 : i32
        %dma_wait3A_334 = tpu.memref_slice %arg3[%dma_wait3A_332, %dma_wait3A_333] : memref<1703936x32xf32, #tpu.memory_space<hbm>> -> memref<128x32xf32, #tpu.memory_space<hbm>>
        %dma_wait3A_335 = arith.constant 0 : i32
        %dma_wait3A_336 = arith.constant 0 : i32
        %dma_wait3A_337 = tpu.memref_slice %arg5[%select_n3A_182, %dma_wait3A_335, %dma_wait3A_336] : memref<2x128x32xf32, #tpu.memory_space<vmem>> -> memref<1x128x32xf32, #tpu.memory_space<vmem>>
        %dma_wait3A_338 = tpu.memref_squeeze %dma_wait3A_337 : memref<1x128x32xf32, #tpu.memory_space<vmem>> -> memref<128x32xf32, #tpu.memory_space<vmem>>
        tpu.wait_dma2 semaphore(%dma_wait3A_331 : memref<!tpu.dma_semaphore, #tpu.memory_space<semaphore_mem>>) src(%dma_wait3A_338 : memref<128x32xf32, #tpu.memory_space<vmem>>) dst(%dma_wait3A_334 : memref<128x32xf32, #tpu.memory_space<hbm>>)
      } else {
      }
      %ge3A = arith.constant 0 : i32
      %ge3A_256 = vector.broadcast %ge3A : i32 to vector<16xi32>
      %ge3A_257 = arith.cmpi sge, %iota3A, %ge3A_256 : vector<16xi32>
      %convert_element_type3A_258 = arith.extui %ge3A_257 : vector<16xi1> to vector<16xi32>
      %sub3A_259 = arith.subi %iota3A, %iota3A : vector<16xi32>
      %parallel_loop3A = arith.constant 0 : i32
      %parallel_loop3A_260 = arith.constant 128 : i32
      %parallel_loop3A_261 = arith.constant 1 : i32
      %parallel_loop3A_262 = scf.for %parallel_loop3A_323 = %parallel_loop3A to %parallel_loop3A_260 step %parallel_loop3A_261 iter_args(%parallel_loop3A_324 = %sub3A_259) -> (vector<16xi32>)  : i32 {
        %parallel_loop3A_325 = arith.constant 0 : i32
        %parallel_loop3A_326 = arith.constant 0 : i32
        %parallel_loop3A_327 = tpu.memref_slice %arg4[%select_n3A_182, %parallel_loop3A_325, %parallel_loop3A_326] : memref<2x32x129xf32, #tpu.memory_space<vmem>> -> memref<1x32x129xf32, #tpu.memory_space<vmem>>
        %parallel_loop3A_328 = tpu.memref_squeeze %parallel_loop3A_327 : memref<1x32x129xf32, #tpu.memory_space<vmem>> -> memref<32x129xf32, #tpu.memory_space<vmem>>
        %parallel_loop3A_329 = tpu.vector_load_idx %parallel_loop3A_328[%iota3A, %parallel_loop3A_324] : memref<32x129xf32, #tpu.memory_space<vmem>>[vector<16xi32>, vector<16xi32>], vector<16xf32>,
        %parallel_loop3A_330 = arith.constant 16 : i32
        %parallel_loop3A_331 = vector.broadcast %parallel_loop3A_330 : i32 to vector<16xi32>
        %parallel_loop3A_332 = arith.addi %iota3A, %parallel_loop3A_331 : vector<16xi32>
        %parallel_loop3A_333 = arith.constant 0 : i32
        %parallel_loop3A_334 = arith.constant 0 : i32
        %parallel_loop3A_335 = tpu.memref_slice %arg4[%select_n3A_182, %parallel_loop3A_333, %parallel_loop3A_334] : memref<2x32x129xf32, #tpu.memory_space<vmem>> -> memref<1x32x129xf32, #tpu.memory_space<vmem>>
        %parallel_loop3A_336 = tpu.memref_squeeze %parallel_loop3A_335 : memref<1x32x129xf32, #tpu.memory_space<vmem>> -> memref<32x129xf32, #tpu.memory_space<vmem>>
        %parallel_loop3A_337 = tpu.vector_load_idx %parallel_loop3A_336[%parallel_loop3A_332, %parallel_loop3A_324] : memref<32x129xf32, #tpu.memory_space<vmem>>[vector<16xi32>, vector<16xi32>], vector<16xf32>,
        %parallel_loop3A_338 = arith.index_cast %select_n3A_182 : i32 to index
        %parallel_loop3A_339 = arith.index_cast %parallel_loop3A_323 : i32 to index
        %parallel_loop3A_340 = arith.constant 0 : index
        %parallel_loop3A_341 = tpu.vector_load %arg5[%parallel_loop3A_338, %parallel_loop3A_339, %parallel_loop3A_340] {strides = array<i32>} : memref<2x128x32xf32, #tpu.memory_space<vmem>>, vector<16xf32>,
        tpu.vector_store %arg5[%parallel_loop3A_338, %parallel_loop3A_339, %parallel_loop3A_340], %parallel_loop3A_329 {strides = array<i32>} : memref<2x128x32xf32, #tpu.memory_space<vmem>>, vector<16xf32>,
        %parallel_loop3A_342 = arith.index_cast %select_n3A_182 : i32 to index
        %parallel_loop3A_343 = arith.index_cast %parallel_loop3A_323 : i32 to index
        %parallel_loop3A_344 = arith.constant 16 : index
        %parallel_loop3A_345 = tpu.vector_load %arg5[%parallel_loop3A_342, %parallel_loop3A_343, %parallel_loop3A_344] {strides = array<i32>} : memref<2x128x32xf32, #tpu.memory_space<vmem>>, vector<16xf32>,
        tpu.vector_store %arg5[%parallel_loop3A_342, %parallel_loop3A_343, %parallel_loop3A_344], %parallel_loop3A_337 {strides = array<i32>} : memref<2x128x32xf32, #tpu.memory_space<vmem>>, vector<16xf32>,
        %parallel_loop3A_346 = arith.addi %parallel_loop3A_324, %convert_element_type3A_258 : vector<16xi32>
        scf.yield %parallel_loop3A_346 : vector<16xi32>
      } {sc.loop_unroll_factor = 8 : i64, sc.parallel_access}
      %add3A_263 = arith.addi %mul3A_2, %scan3A_166 : i32
      %jit3A_264 = arith.constant 512 : i32
      %div3A_265 = arith.divsi %add3A_263, %jit3A_264 : i32
      %sign3A_266 = arith.constant 0 : i32
      %sign3A_267 = arith.cmpi sgt, %add3A_263, %sign3A_266 : i32
      %sign3A_268 = arith.extui %sign3A_267 : i1 to i32
      %sign3A_269 = arith.constant 0 : i32
      %sign3A_270 = arith.cmpi slt, %add3A_263, %sign3A_269 : i32
      %sign3A_271 = arith.extui %sign3A_270 : i1 to i32
      %sign3A_272 = arith.subi %sign3A_268, %sign3A_271 : i32
      %sign3A_273 = arith.constant 0 : i32
      %sign3A_274 = arith.cmpi sgt, %jit3A_264, %sign3A_273 : i32
      %sign3A_275 = arith.extui %sign3A_274 : i1 to i32
      %sign3A_276 = arith.constant 0 : i32
      %sign3A_277 = arith.cmpi slt, %jit3A_264, %sign3A_276 : i32
      %sign3A_278 = arith.extui %sign3A_277 : i1 to i32
      %sign3A_279 = arith.subi %sign3A_275, %sign3A_278 : i32
      %ne3A_280 = arith.cmpi ne, %sign3A_272, %sign3A_279 : i32
      %rem3A_281 = arith.remsi %add3A_263, %jit3A_264 : i32
      %ne3A_282 = arith.constant 0 : i32
      %ne3A_283 = arith.cmpi ne, %rem3A_281, %ne3A_282 : i32
      %and3A_284 = arith.andi %ne3A_280, %ne3A_283 : i1
      %sub3A_285 = arith.constant 1 : i32
      %sub3A_286 = arith.subi %div3A_265, %sub3A_285 : i32
      %select_n3A_287 = arith.select %and3A_284, %sub3A_286, %div3A_265 : i32
      %mul3A_288 = arith.constant 65536 : i32
      %mul3A_289 = arith.muli %select_n3A_287, %mul3A_288 : i32
      %jit3A_290 = arith.constant 512 : i32
      %eq3A_291 = arith.constant 0 : i32
      %eq3A_292 = arith.cmpi eq, %jit3A_290, %eq3A_291 : i32
      %jit3A_293 = arith.constant 1 : i32
      %select_n3A_294 = arith.select %eq3A_292, %jit3A_293, %jit3A_290 : i32
      %rem3A_295 = arith.remsi %add3A_263, %select_n3A_294 : i32
      %ne3A_296 = arith.constant 0 : i32
      %ne3A_297 = arith.cmpi ne, %rem3A_295, %ne3A_296 : i32
      %lt3A_298 = arith.constant 0 : i32
      %lt3A_299 = arith.cmpi slt, %rem3A_295, %lt3A_298 : i32
      %lt3A_300 = arith.constant 0 : i32
      %lt3A_301 = arith.cmpi slt, %select_n3A_294, %lt3A_300 : i32
      %ne3A_302 = arith.xori %lt3A_299, %lt3A_301 : i1
      %and3A_303 = arith.andi %ne3A_302, %ne3A_297 : i1
      %add3A_304 = arith.addi %rem3A_295, %select_n3A_294 : i32
      %select_n3A_305 = arith.select %and3A_303, %add3A_304, %rem3A_295 : i32
      %mul3A_306 = arith.constant 128 : i32
      %mul3A_307 = arith.muli %select_n3A_305, %mul3A_306 : i32
      %add3A_308 = arith.addi %mul3A_289, %mul3A_307 : i32
      %dma_start3A_309 = arith.constant 0 : i32
      %dma_start3A_310 = arith.constant 0 : i32
      %dma_start3A_311 = tpu.memref_slice %arg5[%select_n3A_182, %dma_start3A_309, %dma_start3A_310] : memref<2x128x32xf32, #tpu.memory_space<vmem>> -> memref<1x128x32xf32, #tpu.memory_space<vmem>>
      %dma_start3A_312 = tpu.memref_squeeze %dma_start3A_311 : memref<1x128x32xf32, #tpu.memory_space<vmem>> -> memref<128x32xf32, #tpu.memory_space<vmem>>
      %dma_start3A_313 = arith.constant 0 : i32
      %dma_start3A_314 = tpu.memref_slice %arg3[%add3A_308, %dma_start3A_313] : memref<1703936x32xf32, #tpu.memory_space<hbm>> -> memref<128x32xf32, #tpu.memory_space<hbm>>
      %dma_start3A_315 = tpu.memref_slice %arg7[%select_n3A_182] : memref<2x!tpu.dma_semaphore, #tpu.memory_space<semaphore_mem>> -> memref<1x!tpu.dma_semaphore, #tpu.memory_space<semaphore_mem>>
      %dma_start3A_316 = tpu.memref_squeeze %dma_start3A_315 : memref<1x!tpu.dma_semaphore, #tpu.memory_space<semaphore_mem>> -> memref<!tpu.dma_semaphore, #tpu.memory_space<semaphore_mem>>
      %dma_start3A_317 = arith.constant 0 : i32
      %dma_start3A_318 = tpu.memref_slice %arg3[%add3A_308, %dma_start3A_317] : memref<1703936x32xf32, #tpu.memory_space<hbm>> -> memref<128x32xf32, #tpu.memory_space<hbm>>
      %dma_start3A_319 = arith.constant 0 : i32
      %dma_start3A_320 = arith.constant 0 : i32
      %dma_start3A_321 = tpu.memref_slice %arg5[%select_n3A_182, %dma_start3A_319, %dma_start3A_320] : memref<2x128x32xf32, #tpu.memory_space<vmem>> -> memref<1x128x32xf32, #tpu.memory_space<vmem>>
      %dma_start3A_322 = tpu.memref_squeeze %dma_start3A_321 : memref<1x128x32xf32, #tpu.memory_space<vmem>> -> memref<128x32xf32, #tpu.memory_space<vmem>>
      tpu.enqueue_dma source(%dma_start3A_322 : memref<128x32xf32, #tpu.memory_space<vmem>>) target(%dma_start3A_318 : memref<128x32xf32, #tpu.memory_space<hbm>>) target_semaphore(%dma_start3A_316 : memref<!tpu.dma_semaphore, #tpu.memory_space<semaphore_mem>>)
    }
    %scan3A_130 = arith.constant 416 : i32
    %dma_wait3A = arith.constant 0 : i32
    %dma_wait3A_131 = arith.constant 0 : i32
    %dma_wait3A_132 = arith.constant 0 : i32
    %dma_wait3A_133 = arith.constant 0 : i32
    %dma_wait3A_134 = tpu.memref_slice %arg5[%dma_wait3A, %dma_wait3A_132, %dma_wait3A_133] : memref<2x128x32xf32, #tpu.memory_space<vmem>> -> memref<1x128x32xf32, #tpu.memory_space<vmem>>
    %dma_wait3A_135 = tpu.memref_squeeze %dma_wait3A_134 : memref<1x128x32xf32, #tpu.memory_space<vmem>> -> memref<128x32xf32, #tpu.memory_space<vmem>>
    %dma_wait3A_136 = arith.constant 0 : i32
    %dma_wait3A_137 = arith.constant 0 : i32
    %dma_wait3A_138 = tpu.memref_slice %arg3[%dma_wait3A_136, %dma_wait3A_137] : memref<1703936x32xf32, #tpu.memory_space<hbm>> -> memref<128x32xf32, #tpu.memory_space<hbm>>
    %dma_wait3A_139 = tpu.memref_slice %arg7[%dma_wait3A_131] : memref<2x!tpu.dma_semaphore, #tpu.memory_space<semaphore_mem>> -> memref<1x!tpu.dma_semaphore, #tpu.memory_space<semaphore_mem>>
    %dma_wait3A_140 = tpu.memref_squeeze %dma_wait3A_139 : memref<1x!tpu.dma_semaphore, #tpu.memory_space<semaphore_mem>> -> memref<!tpu.dma_semaphore, #tpu.memory_space<semaphore_mem>>
    %dma_wait3A_141 = arith.constant 0 : i32
    %dma_wait3A_142 = arith.constant 0 : i32
    %dma_wait3A_143 = tpu.memref_slice %arg3[%dma_wait3A_141, %dma_wait3A_142] : memref<1703936x32xf32, #tpu.memory_space<hbm>> -> memref<128x32xf32, #tpu.memory_space<hbm>>
    %dma_wait3A_144 = arith.constant 0 : i32
    %dma_wait3A_145 = arith.constant 0 : i32
    %dma_wait3A_146 = tpu.memref_slice %arg5[%dma_wait3A, %dma_wait3A_144, %dma_wait3A_145] : memref<2x128x32xf32, #tpu.memory_space<vmem>> -> memref<1x128x32xf32, #tpu.memory_space<vmem>>
    %dma_wait3A_147 = tpu.memref_squeeze %dma_wait3A_146 : memref<1x128x32xf32, #tpu.memory_space<vmem>> -> memref<128x32xf32, #tpu.memory_space<vmem>>
    tpu.wait_dma2 semaphore(%dma_wait3A_140 : memref<!tpu.dma_semaphore, #tpu.memory_space<semaphore_mem>>) src(%dma_wait3A_147 : memref<128x32xf32, #tpu.memory_space<vmem>>) dst(%dma_wait3A_143 : memref<128x32xf32, #tpu.memory_space<hbm>>)
    %dma_wait3A_148 = arith.constant 1 : i32
    %dma_wait3A_149 = arith.constant 1 : i32
    %dma_wait3A_150 = arith.constant 0 : i32
    %dma_wait3A_151 = arith.constant 0 : i32
    %dma_wait3A_152 = tpu.memref_slice %arg5[%dma_wait3A_148, %dma_wait3A_150, %dma_wait3A_151] : memref<2x128x32xf32, #tpu.memory_space<vmem>> -> memref<1x128x32xf32, #tpu.memory_space<vmem>>
    %dma_wait3A_153 = tpu.memref_squeeze %dma_wait3A_152 : memref<1x128x32xf32, #tpu.memory_space<vmem>> -> memref<128x32xf32, #tpu.memory_space<vmem>>
    %dma_wait3A_154 = arith.constant 0 : i32
    %dma_wait3A_155 = arith.constant 0 : i32
    %dma_wait3A_156 = tpu.memref_slice %arg3[%dma_wait3A_154, %dma_wait3A_155] : memref<1703936x32xf32, #tpu.memory_space<hbm>> -> memref<128x32xf32, #tpu.memory_space<hbm>>
    %dma_wait3A_157 = tpu.memref_slice %arg7[%dma_wait3A_149] : memref<2x!tpu.dma_semaphore, #tpu.memory_space<semaphore_mem>> -> memref<1x!tpu.dma_semaphore, #tpu.memory_space<semaphore_mem>>
    %dma_wait3A_158 = tpu.memref_squeeze %dma_wait3A_157 : memref<1x!tpu.dma_semaphore, #tpu.memory_space<semaphore_mem>> -> memref<!tpu.dma_semaphore, #tpu.memory_space<semaphore_mem>>
    %dma_wait3A_159 = arith.constant 0 : i32
    %dma_wait3A_160 = arith.constant 0 : i32
    %dma_wait3A_161 = tpu.memref_slice %arg3[%dma_wait3A_159, %dma_wait3A_160] : memref<1703936x32xf32, #tpu.memory_space<hbm>> -> memref<128x32xf32, #tpu.memory_space<hbm>>
    %dma_wait3A_162 = arith.constant 0 : i32
    %dma_wait3A_163 = arith.constant 0 : i32
    %dma_wait3A_164 = tpu.memref_slice %arg5[%dma_wait3A_148, %dma_wait3A_162, %dma_wait3A_163] : memref<2x128x32xf32, #tpu.memory_space<vmem>> -> memref<1x128x32xf32, #tpu.memory_space<vmem>>
    %dma_wait3A_165 = tpu.memref_squeeze %dma_wait3A_164 : memref<1x128x32xf32, #tpu.memory_space<vmem>> -> memref<128x32xf32, #tpu.memory_space<vmem>>
    tpu.wait_dma2 semaphore(%dma_wait3A_158 : memref<!tpu.dma_semaphore, #tpu.memory_space<semaphore_mem>>) src(%dma_wait3A_165 : memref<128x32xf32, #tpu.memory_space<vmem>>) dst(%dma_wait3A_161 : memref<128x32xf32, #tpu.memory_space<hbm>>)
    return
  }
}

</mosaic_0001>

<sc_bundles>
// kernel: _transpose.3.cloned.1.call-start
scs
__scs_entry_jumppad:
0x0: {  	(pc) =	sbr.rel $0x88, $3  }
0x1: {  	(tag) =	ssettag $0x0;
	lr =	simm.s32 $0x1  }
0x2: {  	[smem:$0x3FA0] =	sst lr;
	_ =	strace $0xD0000000  }
0x3: {  	_ = 	snop  }
0x4: {  	_ = 	snop  }
0x5: {  	_ = 	snop  }
0x6: {  	_ = 	snop  }
0x7: {  	_ = 	snop  }
__scs_overlays_trampoline_lowered:
0x8: {  	[smem:$0x3FAF] =	sst s0  }
0x9: {  	[smem:$0x3FB0] =	sst s1  }
0xa: {  	[smem:$0x3FB1] =	sst s2  }
0xb: {  	[smem:$0x3FB2] =	sst s3  }
0xc: {  	[smem:$0x3FB3] =	sst s4  }
0xd: {  	[smem:$0x3FB4] =	sst s5  }
0xe: {  	[smem:$0x3FB5] =	sst s6  }
0xf: {  	[smem:$0x3FB6] =	sst s7  }
0x10: {  	[smem:$0x3FB7] =	sst s8  }
0x11: {  	[smem:$0x3FB8] =	sst s9;
	s0 =	simm.s32 @!p0 $0x0  }
0x12: {  	s1 =	sld [smem:$0x3F9E];
	s0 =	simm.s32 @p0 $0x1  }
0x13: {  	[smem:$0x3FB9] =	sst s0;
	s0 =	simm.s32 @!p1 $0x0  }
0x14: {  	s2 =	sld [smem:$0x3F9D];
	s0 =	simm.s32 @p1 $0x1  }
0x15: {  	[smem:$0x3FBA] =	sst s0;
	s0 =	simm.s32 @!p2 $0x0  }
0x16: {  	s3 =	sld [smem:$0x3FDB];
	s0 =	simm.s32 @p2 $0x1  }
0x17: {  	s4 =	simm.s32 $0x1BF5;
	[smem:$0x3FBC] =	sst s0  }
0x18: {  	s0 =	sld [smem:$0x3F9F];
	_ =	swait.ge [sflag:s4], $0x0  }
0x19: {  	s7 =	sld [smem:$0x3FA0]  }
0x1a: {  	s8 =	sadd.s32 $0xFFFFE003, lr  }
0x1b: {  	s9 =	sadd.s32 $0xFFFFFEF7, lr;
	s5 =	simm.s32 $0xFFFFFFFF;
	p2 =	slt.u32 s8, $0xFFFFF086  }
0x1c: {  	p1 =	slt.u32 s9, $0xF7A;
	s5 =	simm.s32 @!p2 $0x0  }
0x1d: {  	s5 =	simm.s32 @p1 $0x1;
	p0 =	seq.s32 s7, s2  }
0x1e: {  	s7 =	smul.u32 @!p0 $0xF7A, s2;
	p2 =	seq.s32 @!p0 s5, $0x0  }
0x1f: {  	s9 =	smul.u32 $0xF7A, s1;
	s8 =	simm.s32 @!p0 $0x1BF5;
	p2 =	por !p2, p0  }
0x20: {  	[sflag:s8] =	ssyncset.s32 @!p0 $0xFFFFF086;
	s6 =	sadd.s32 @!p0 s3, s7;
	s7 =	simm.s32 @!p0 $0x108  }
0x21: {  	s3 =	sadd.s32 s3, s9;
	s6 =	sadd.s32 @!p0 $0x88, s6;
	s7 =	simm.s32 @p2 $0x1082  }
0x22: {  	[simem:s7], [sflag:s8] =	dma.local @!p0 [hbm:s6], $0xF7A  }
0x23: {  	s9 =	sor.u32 $0xD0000000, s2;
	s6 =	simm.s32 $0x108;
	_ =	swait.ge @!p0 [sflag:s8], $0x0  }
0x24: {  	s3 =	sadd.s32 $0x88, s3;
	s6 =	simm.s32 @!p1 $0x1082;
	[sflag:s4] =	ssyncset.s32 $0xFFFFF086  }
0x25: {  	[simem:s6], [sflag:s4] =	dma.local [hbm:s3], $0xF7A  }
0x26: {  	[smem:$0x3FA0] =	sst s1;
	(tag) =	ssettag s2;
	_ =	strace s9  }
0x27: {  	s1 =	sld [smem:$0x3FB0]  }
0x28: {  	s2 =	sld [smem:$0x3FB1]  }
0x29: {  	s4 =	sld [smem:$0x3FB3]  }
0x2a: {  	p0 =	seq.s32 s5, $0x0;
	s5 =	sld [smem:$0x3FB4]  }
0x2b: {  	s6 =	sld [smem:$0x3FB5]  }
0x2c: {  	s7 =	sld [smem:$0x3FB6]  }
0x2d: {  	s3 =	simm.s32 $0x108;
	s8 =	sld [smem:$0x3FB7]  }
0x2e: {  	s3 =	simm.s32 @!p0 $0x1082;
	s9 =	sld [smem:$0x3FB8]  }
0x2f: {  	lr =	sadd.s32 s0, s3;
	s0 =	sld [smem:$0x3FAF]  }
0x30: {  	s3 =	sld [smem:$0x3FB2]  }
0x31: {  	[smem:$0x3FBB] =	sst s10  }
0x32: {  	s10 =	sld [smem:$0x3FB9];
	_ =	sdelay $0x3  }
0x33: {  	p0 =	seq.s32 s10, $0x1;
	s10 =	sld [smem:$0x3FBB];
	_ =	sdelay $0x3  }
0x34: {  	[smem:$0x3FBB] =	sst s10  }
0x35: {  	s10 =	sld [smem:$0x3FBA];
	_ =	sdelay $0x3  }
0x36: {  	p1 =	seq.s32 s10, $0x1;
	s10 =	sld [smem:$0x3FBB];
	_ =	sdelay $0x3  }
0x37: {  	[smem:$0x3FBB] =	sst s10  }
0x38: {  	s10 =	sld [smem:$0x3FBC]  }
0x39: {  	_ = 	snop;
	(pc) =	sbr.ind lr, $3  }
0x3a: {  	_ = 	snop  }
0x3b: {  	_ = 	snop  }
0x3c: {  	p2 =	seq.s32 s10, $0x1;
	s10 =	sld [smem:$0x3FBB]  }
0x3d: {  	_ =	shalt  }
0x3e: {  	_ =	shalt  }
0x3f: {  	_ =	shalt  }
0x40: {  	_ =	shalt  }
0x41: {  	_ =	shalt  }
0x42: {  	_ =	shalt  }
0x43: {  	_ =	shalt  }
0x44: {  	_ =	shalt  }
0x45: {  	_ =	shalt  }
0x46: {  	_ =	shalt  }
0x47: {  	_ =	shalt  }
0x48: {  	_ =	shalt  }
0x49: {  	_ =	shalt  }
0x4a: {  	_ =	shalt  }
0x4b: {  	_ =	shalt  }
0x4c: {  	_ =	shalt  }
0x4d: {  	_ =	shalt  }
0x4e: {  	_ =	shalt  }
0x4f: {  	_ =	shalt  }
0x50: {  	_ =	shalt  }
0x51: {  	_ =	shalt  }
0x52: {  	_ =	shalt  }
0x53: {  	_ =	shalt  }
0x54: {  	_ =	shalt  }
0x55: {  	_ =	shalt  }
0x56: {  	_ =	shalt  }
0x57: {  	_ =	shalt  }
0x58: {  	_ =	shalt  }
0x59: {  	_ =	shalt  }
0x5a: {  	_ =	shalt  }
0x5b: {  	_ =	shalt  }
0x5c: {  	_ =	shalt  }
0x5d: {  	_ =	shalt  }
0x5e: {  	_ =	shalt  }
0x5f: {  	_ =	shalt  }
0x60: {  	_ =	shalt  }
0x61: {  	_ =	shalt  }
0x62: {  	_ =	shalt  }
0x63: {  	_ =	shalt  }
0x64: {  	_ =	shalt  }
0x65: {  	_ =	shalt  }
0x66: {  	_ =	shalt  }
0x67: {  	_ =	shalt  }
0x68: {  	_ =	shalt  }
0x69: {  	_ =	shalt  }
0x6a: {  	_ =	shalt  }
0x6b: {  	_ =	shalt  }
0x6c: {  	_ =	shalt  }
0x6d: {  	_ =	shalt  }
0x6e: {  	_ =	shalt  }
0x6f: {  	_ =	shalt  }
0x70: {  	_ =	shalt  }
0x71: {  	_ =	shalt  }
0x72: {  	_ =	shalt  }
0x73: {  	_ =	shalt  }
0x74: {  	_ =	shalt  }
0x75: {  	_ =	shalt  }
0x76: {  	_ =	shalt  }
0x77: {  	_ =	shalt  }
0x78: {  	_ =	shalt  }
0x79: {  	_ =	shalt  }
0x7a: {  	_ =	shalt  }
0x7b: {  	_ =	shalt  }
0x7c: {  	_ =	shalt  }
0x7d: {  	_ =	shalt  }
0x7e: {  	_ =	shalt  }
0x7f: {  	_ =	shalt  }
0x80: {  	_ =	shalt  }
0x81: {  	_ =	shalt  }
0x82: {  	_ =	shalt  }
0x83: {  	_ =	shalt  }
0x84: {  	_ =	shalt  }
0x85: {  	_ =	shalt  }
0x86: {  	_ =	shalt  }
0x87: {  	_ =	shalt  }
.Lfunc_end0:
.L_simem_size_0:
called_computation.1_lowered:
.L_overlay_start_0:
0x88: {  	s2 =	sld [smem:$0x3FD9]  }
0x89: {  	s3 =	sld [smem:$0x3FFE];
	_ =	sdelay $0x1  }
0x8a: {  	s1 =	srdreg.scid  }
0x8b: {  	s0 =	sand.u32 $0x1, s1  }
0x8c: {  	s18 =	sshll.u32 s0, $0xA;
	s2 =	sadd.s32 s3, s2  }
0x8d: {  	s2 =	sadd.s32 s2, s18  }
0x8e: {  	[smem:$0x3FC7] =	sst s2  }
0x8f: {  	_ = 	snop  }
0x90: {  	s2 =	sld [smem:$0x3FC9]  }
0x91: {  	s19 =	sld [smem:$0x3FD0];
	(tm) =	ssettm $0x1  }
0x92: {  	s4 =	sld [smem:$0x3FFB];
	_ =	sdelay $0x3  }
0x93: {  	_ =	strace s4  }
0x94: {  	s4 =	sld [smem:$0x3FFC];
	_ =	sdelay $0x3  }
0x95: {  	_ =	strace s4  }
0x96: {  	s4 =	sld [smem:$0x3FFD];
	_ =	sdelay $0x3  }
0x97: {  	_ =	strace s4  }
0x98: {  	_ =	strace $0x8FFFFFFF  }
0x99: {  	s20 =	sld [smem:$0x3FDB];
	_ =	sdelay $0x1  }
0x9a: {  	s5 =	simm.s32 $_scs_section_size  }
0x9b: {  	s6 =	simm.s32 $_size__tile_overlayer_lowered;
	s7 =	simm.s32 $_tile_overlayer_lowered  }
0x9c: {  	s23 =	simm.s32 $0x1BFF;
	s22 =	sshll.u32 s7, $0x1;
	s4 =	sadd.s32 s5, s20  }
0x9d: {  	s8 =	simm.s32 $0x0;
	s21 =	sshll.u32 s6, $0x1;
	s6 =	sadd.s32 s22, s4  }
0x9e: {  	[timem:s8], [sflag:s23] =	dma.local [hbm:s6], s21  }
0x9f: {  	_ =	swait.ge [sflag:s23], s21  }
0xa0: {  	s5 =	ssub.s32 $0x0, s21;
	[sflag:s23] =	ssyncset.done $0x0  }
0xa1: {  	[sflag:s23] =	ssyncadd.s32 s5;
	_ =	sdelay $0x1  }
0xa2: {  	s24 =	simm.s32 $0x1B8B  }
0xa3: {  	_ =	swait.ge [sflag:s24], $0x1  }
0xa4: {  	[sflag:s24] =	ssyncset.done $0x0  }
0xa5: {  	s25 =	simm.s32 $0x1B8E;
	[sflag:s24] =	ssyncadd.s32 $0xFFFFFFFF  }
0xa6: {  	s26 =	simm.s32 $execute0_lowered;
	[smem:$0x3FD2] =	sst s25  }
0xa7: {  	s5 =	sshll.u32 s26, $0x1;
	_ =	strace $0x80000046;
	[dreg:$0x1] =	wrdreg $0xFFFFFFFF  }
0xa8: {  	s28 =	simm.s32 $_size_execute0_lowered;
	s4 =	sadd.s32 s4, s5;
	[dreg:$0x0] =	wrdreg $0x0  }
0xa9: {  	s5 =	sshll.u32 s28, $0x1;
	[dreg:$0x2] =	wrdreg s4  }
0xaa: {  	[dreg:$0x3] =	wrdreg s5  }
0xab: {  	[dreg:$0x4] =	wrdreg $0xC0  }
0xac: {  	_ =	task [dreg:s8], $0x5FFFF  }
0xad: {  	[dreg:$0x1] =	wrdreg $0xFFFFFFFF  }
0xae: {  	[dreg:$0x0] =	wrdreg $0x60  }
0xaf: {  	[dreg:$0x2] =	wrdreg s2  }
0xb0: {  	[dreg:$0x3] =	wrdreg s19  }
0xb1: {  	[dreg:$0x4] =	wrdreg $0x9  }
0xb2: {  	_ =	task.clear_ibuf [dreg:s8], $0x5FFFF;
	_ =	strace $0x90000046  }
0xb3: {  	s29 =	simm.s32 $0x9;
	_ =	strace $0x80000048  }
0xb4: {  	_ =	swait.ge [sflag:s29], $0x1  }
0xb5: {  	[sflag:s29] =	ssyncadd.s32 $0xFFFFFFFF  }
0xb6: {  	_ =	strace $0x90000048  }
0xb7: {  	_ =	sfence  }
0xb8: {  	s30 =	sld [smem:$0x0];
	_ =	sdelay $0x2  }
0xb9: {  	s31 =	sshll.u32 s1, $0xD;
	s1 =	sshrl.u32 s1, $0x2  }
0xba: {  	s3 =	sand.u32 $0x4000, s31;
	s1 =	sadd.s32 s1, s30  }
0xbb: {  	s0 =	sor.u32 s3, s0;
	s1 =	sshll.u32 s1, $0x11  }
0xbc: {  	s0 =	sor.u32 s1, s0  }
0xbd: {  	s0 =	sadd.s32 $0x8F2B, s0  }
0xbe: {  	[sflag:s0] =	ssyncadd.remote.s32 $0x1  }
0xbf: {  	_ =	sfence.sel $0xFFFF  }
0xc0: {  	[dreg:$0x0] =	wrdreg $0xFFFFFFFF;
	(pc) =	sbr.abs _section_cstart, $3  }
0xc1: {  	[dreg:$0x1] =	wrdreg $0xFFFFFFFF  }
0xc2: {  	_ =	task.clear_ibuf [dreg:s8], $0x2FFFF;
	_ =	strace $0x9FFFFFFF  }
0xc3: {  	(tm) =	ssettm $0x7FFFFFFF  }
tec
execute0_lowered:
.L_overlay_start_1:
0x0: {  	(tag) =	ssettag $0x1  }
0x1: {  	s0 =	srdreg.scid;
	s1 =	stileid.u32  }
0x2: {  	s0 =	sand.u32 $0x1, s0;
	s1 =	sshll.u32 s1, $0x1  }
0x3: {  	s1 =	sor.u32 s0, s1  }
0x4: {  	s5 =	smul.u32 $0x3400, s1  }
0x5: {  	s2 =	rddreg [dreg:$0x0];
	s6 =	smul.u32 $0xD00, s1  }
0x6: {  	s3 =	rddreg [dreg:$0x1]  }
0x7: {  	s0 =	ssub.s32 $0x2, s0;
	s5 =	sand.u32 $0x7C000, s5;
	s6 =	sand.u32 $0xF00, s6  }
0x8: {  	s4 =	simm.s32 $0x0;
	s31 =	sshrl.u32 s0, $0x1;
	s5 =	sor.u32 s6, s5  }
0x9: {  	[smem:$0x7FF] =	sst s4;
	s0 =	ssub.s32 s0, s31;
	s12 =	sshll.u32 s5, $0x4  }
0xa: {  	_ =	strace $0x80000047;
	s0 =	smax.u32 s0, $0x1;
	s6 =	sadd.s32 s2, s12  }
0xb: {  	[dreg:$0x3] =	wrdreg s0;
	s5 =	smul.u32 $0x1A0, s1;
	s1 =	sadd.s32 $0x10, s6  }
0xc: {  	s13 =	sadd.s32 $0x20, s6;
	[dreg:$0x4] =	wrdreg s1  }
0xd: {  	s14 =	sadd.s32 $0x30, s6;
	[dreg:$0x5] =	wrdreg s13  }
0xe: {  	s15 =	sadd.s32 $0x40, s6;
	[dreg:$0x6] =	wrdreg s14  }
0xf: {  	s16 =	sadd.s32 $0x50, s6;
	[dreg:$0x7] =	wrdreg s15  }
0x10: {  	s7 =	sadd.s32 $0x10000, s2;
	s17 =	sadd.s32 $0x60, s6;
	[dreg:$0x8] =	wrdreg s16  }
0x11: {  	s10 =	sadd.s32 s12, s7;
	s18 =	sadd.s32 $0x70, s6;
	[dreg:$0x9] =	wrdreg s17  }
0x12: {  	s19 =	sadd.s32 $0x10, s10;
	[dreg:$0xa] =	wrdreg s18  }
0x13: {  	s20 =	sadd.s32 $0x20, s10;
	[dreg:$0xb] =	wrdreg s19  }
0x14: {  	s21 =	sadd.s32 $0x30, s10;
	[dreg:$0xc] =	wrdreg s20  }
0x15: {  	s22 =	sadd.s32 $0x40, s10;
	[dreg:$0xd] =	wrdreg s21  }
0x16: {  	s23 =	sadd.s32 $0x50, s10;
	[dreg:$0xe] =	wrdreg s22  }
0x17: {  	s8 =	sadd.s32 $0x20000, s2;
	s24 =	sadd.s32 $0x60, s10;
	[dreg:$0xf] =	wrdreg s23  }
0x18: {  	s11 =	sadd.s32 s12, s8;
	s25 =	sadd.s32 $0x70, s10;
	[dreg:$0x10] =	wrdreg s24  }
0x19: {  	s26 =	sadd.s32 $0x10, s11;
	[dreg:$0x11] =	wrdreg s25  }
0x1a: {  	s28 =	sadd.s32 $0x20, s11;
	[dreg:$0x12] =	wrdreg s26  }
0x1b: {  	v0 =	vlaneseq.u32;
	s29 =	sadd.s32 $0x30, s11;
	[dreg:$0x13] =	wrdreg s28  }
0x1c: {  	v0 =	vmul.u32 $0x88, v0;
	s30 =	sadd.s32 $0x40, s11;
	[dreg:$0x14] =	wrdreg s29  }
0x1d: {  	s9 =	sadd.s32 $0x30000, s2;
	s31 =	sadd.s32 $0x50, s11;
	[dreg:$0x15] =	wrdreg s30  }
0x1e: {  	v1 =	vadd.s32 $0x880, v0;
	v2 =	vor.u32 $0x1, v0;
	v3 =	vadd.s32 $0x881, v0;
	s12 =	sadd.s32 s12, s9;
	[dreg:$0x16] =	wrdreg s31  }
0x1f: {  	v4 =	vor.u32 $0x2, v0;
	v5 =	vadd.s32 $0x882, v0;
	v6 =	vor.u32 $0x3, v0;
	s13 =	sadd.s32 $0x60, s11;
	s14 =	sadd.s32 $0x70, s11;
	s15 =	sadd.s32 $0x10, s12  }
0x20: {  	v7 =	vadd.s32 $0x883, v0;
	v8 =	vor.u32 $0x4, v0;
	v9 =	vadd.s32 $0x884, v0;
	s16 =	sadd.s32 $0x20, s12;
	s17 =	sadd.s32 $0x30, s12;
	s18 =	sadd.s32 $0x40, s12  }
0x21: {  	v10 =	vor.u32 $0x5, v0;
	v11 =	vadd.s32 $0x885, v0;
	v12 =	vor.u32 $0x6, v0;
	s19 =	sadd.s32 $0x50, s12;
	s20 =	sadd.s32 $0x60, s12;
	s21 =	sadd.s32 $0x70, s12  }
0x22: {  	v13 =	vadd.s32 $0x886, v0;
	v14 =	vor.u32 $0x7, v0;
	v15 =	vadd.s32 $0x887, v0;
	s22 =	simm.s32 $0x3;
	s23 =	simm.s32 $0x4;
	s24 =	simm.s32 $0x0  }
.LBB2_1:
0x23: {  	[tilespmem:s4], [sflag:$0x1] =	stream.linear.gather [hbm4b:s6+s4], $0x80, $0x38;
	[tilespmem:$0x4200] =	vst v63  }
0x24: {  	s0 =	rddreg [dreg:$0x4];
	s1 =	simm.s32 $0x88  }
0x25: {  	[tilespmem:s1], [sflag:$0x1] =	stream.linear.gather [hbm4b:s0+s4], $0x80, $0x38;
	[tilespmem:$0x4200] =	vst v63  }
0x26: {  	s30 =	rddreg [dreg:$0x5];
	s31 =	simm.s32 $0x110  }
0x27: {  	[tilespmem:s31], [sflag:$0x1] =	stream.linear.gather [hbm4b:s30+s4], $0x80, $0x38;
	[tilespmem:$0x4200] =	vst v63  }
0x28: {  	s25 =	rddreg [dreg:$0x6];
	s26 =	simm.s32 $0x198  }
0x29: {  	[tilespmem:s26], [sflag:$0x1] =	stream.linear.gather [hbm4b:s25+s4], $0x80, $0x38;
	[tilespmem:$0x4200] =	vst v63  }
0x2a: {  	s28 =	rddreg [dreg:$0x7];
	s29 =	simm.s32 $0x220  }
0x2b: {  	[tilespmem:s29], [sflag:$0x1] =	stream.linear.gather [hbm4b:s28+s4], $0x80, $0x38;
	[tilespmem:$0x4200] =	vst v63  }
0x2c: {  	s30 =	rddreg [dreg:$0x8];
	s31 =	simm.s32 $0x2A8  }
0x2d: {  	[tilespmem:s31], [sflag:$0x1] =	stream.linear.gather [hbm4b:s30+s4], $0x80, $0x38;
	[tilespmem:$0x4200] =	vst v63  }
0x2e: {  	s1 =	rddreg [dreg:$0x9];
	s25 =	simm.s32 $0x330  }
0x2f: {  	[tilespmem:s25], [sflag:$0x1] =	stream.linear.gather [hbm4b:s1+s4], $0x80, $0x38;
	[tilespmem:$0x4200] =	vst v63  }
0x30: {  	s26 =	rddreg [dreg:$0xa];
	s28 =	simm.s32 $0x3B8  }
0x31: {  	[tilespmem:s28], [sflag:$0x1] =	stream.linear.gather [hbm4b:s26+s4], $0x80, $0x38;
	[tilespmem:$0x4200] =	vst v63  }
0x32: {  	s29 =	simm.s32 $0x440  }
0x33: {  	[tilespmem:s29], [sflag:$0x1] =	stream.linear.gather [hbm4b:s10+s4], $0x80, $0x38;
	[tilespmem:$0x4200] =	vst v63  }
0x34: {  	s30 =	rddreg [dreg:$0xb];
	s31 =	simm.s32 $0x4C8  }
0x35: {  	[tilespmem:s31], [sflag:$0x1] =	stream.linear.gather [hbm4b:s30+s4], $0x80, $0x38;
	[tilespmem:$0x4200] =	vst v63  }
0x36: {  	s25 =	rddreg [dreg:$0xc];
	s26 =	simm.s32 $0x550  }
0x37: {  	[tilespmem:s26], [sflag:$0x1] =	stream.linear.gather [hbm4b:s25+s4], $0x80, $0x38;
	[tilespmem:$0x4200] =	vst v63  }
0x38: {  	s28 =	rddreg [dreg:$0xd];
	s29 =	simm.s32 $0x5D8  }
0x39: {  	[tilespmem:s29], [sflag:$0x1] =	stream.linear.gather [hbm4b:s28+s4], $0x80, $0x38;
	[tilespmem:$0x4200] =	vst v63  }
0x3a: {  	s30 =	rddreg [dreg:$0xe];
	s31 =	simm.s32 $0x660  }
0x3b: {  	[tilespmem:s31], [sflag:$0x1] =	stream.linear.gather [hbm4b:s30+s4], $0x80, $0x38;
	[tilespmem:$0x4200] =	vst v63  }
0x3c: {  	s25 =	rddreg [dreg:$0xf];
	s26 =	simm.s32 $0x6E8  }
0x3d: {  	[tilespmem:s26], [sflag:$0x1] =	stream.linear.gather [hbm4b:s25+s4], $0x80, $0x38;
	[tilespmem:$0x4200] =	vst v63  }
0x3e: {  	s28 =	rddreg [dreg:$0x10];
	s29 =	simm.s32 $0x770  }
0x3f: {  	[tilespmem:s29], [sflag:$0x1] =	stream.linear.gather [hbm4b:s28+s4], $0x80, $0x38;
	[tilespmem:$0x4200] =	vst v63  }
0x40: {  	s30 =	rddreg [dreg:$0x11];
	s31 =	simm.s32 $0x7F8  }
0x41: {  	[tilespmem:s31], [sflag:$0x1] =	stream.linear.gather [hbm4b:s30+s4], $0x80, $0x38;
	[tilespmem:$0x4200] =	vst v63  }
0x42: {  	s1 =	simm.s32 $0x880  }
0x43: {  	[tilespmem:s1], [sflag:$0x1] =	stream.linear.gather [hbm4b:s11+s4], $0x80, $0x38;
	[tilespmem:$0x4200] =	vst v63  }
0x44: {  	s25 =	rddreg [dreg:$0x12];
	s26 =	simm.s32 $0x908  }
0x45: {  	[tilespmem:s26], [sflag:$0x1] =	stream.linear.gather [hbm4b:s25+s4], $0x80, $0x38;
	[tilespmem:$0x4200] =	vst v63  }
0x46: {  	s28 =	rddreg [dreg:$0x13];
	s29 =	simm.s32 $0x990  }
0x47: {  	[tilespmem:s29], [sflag:$0x1] =	stream.linear.gather [hbm4b:s28+s4], $0x80, $0x38;
	[tilespmem:$0x4200] =	vst v63  }
0x48: {  	s30 =	rddreg [dreg:$0x14];
	s31 =	simm.s32 $0xA18  }
0x49: {  	[tilespmem:s31], [sflag:$0x1] =	stream.linear.gather [hbm4b:s30+s4], $0x80, $0x38;
	[tilespmem:$0x4200] =	vst v63  }
0x4a: {  	s1 =	rddreg [dreg:$0x15];
	s25 =	simm.s32 $0xAA0  }
0x4b: {  	[tilespmem:s25], [sflag:$0x1] =	stream.linear.gather [hbm4b:s1+s4], $0x80, $0x38;
	[tilespmem:$0x4200] =	vst v63  }
0x4c: {  	s26 =	rddreg [dreg:$0x16];
	s28 =	simm.s32 $0xB28  }
0x4d: {  	[tilespmem:s28], [sflag:$0x1] =	stream.linear.gather [hbm4b:s26+s4], $0x80, $0x38;
	[tilespmem:$0x4200] =	vst v63  }
0x4e: {  	s29 =	simm.s32 $0xBB0  }
0x4f: {  	[tilespmem:s29], [sflag:$0x1] =	stream.linear.gather [hbm4b:s13+s4], $0x80, $0x38;
	[tilespmem:$0x4200] =	vst v63  }
0x50: {  	s30 =	simm.s32 $0xC38  }
0x51: {  	[tilespmem:s30], [sflag:$0x1] =	stream.linear.gather [hbm4b:s14+s4], $0x80, $0x38;
	[tilespmem:$0x4200] =	vst v63  }
0x52: {  	s31 =	simm.s32 $0xCC0  }
0x53: {  	[tilespmem:s31], [sflag:$0x1] =	stream.linear.gather [hbm4b:s12+s4], $0x80, $0x38;
	[tilespmem:$0x4200] =	vst v63  }
0x54: {  	s1 =	simm.s32 $0xD48  }
0x55: {  	[tilespmem:s1], [sflag:$0x1] =	stream.linear.gather [hbm4b:s15+s4], $0x80, $0x38;
	[tilespmem:$0x4200] =	vst v63  }
0x56: {  	s25 =	simm.s32 $0xDD0  }
0x57: {  	[tilespmem:s25], [sflag:$0x1] =	stream.linear.gather [hbm4b:s16+s4], $0x80, $0x38;
	[tilespmem:$0x4200] =	vst v63  }
0x58: {  	s26 =	simm.s32 $0xE58  }
0x59: {  	[tilespmem:s26], [sflag:$0x1] =	stream.linear.gather [hbm4b:s17+s4], $0x80, $0x38;
	[tilespmem:$0x4200] =	vst v63  }
0x5a: {  	s28 =	simm.s32 $0xEE0  }
0x5b: {  	[tilespmem:s28], [sflag:$0x1] =	stream.linear.gather [hbm4b:s18+s4], $0x80, $0x38;
	[tilespmem:$0x4200] =	vst v63  }
0x5c: {  	s29 =	simm.s32 $0xF68  }
0x5d: {  	[tilespmem:s29], [sflag:$0x1] =	stream.linear.gather [hbm4b:s19+s4], $0x80, $0x38;
	[tilespmem:$0x4200] =	vst v63  }
0x5e: {  	s30 =	simm.s32 $0xFF0  }
0x5f: {  	[tilespmem:s30], [sflag:$0x1] =	stream.linear.gather [hbm4b:s20+s4], $0x80, $0x38;
	[tilespmem:$0x4200] =	vst v63  }
0x60: {  	p0 =	por $0x0, $0x0;
	s31 =	simm.s32 $0x1078;
	s25 =	simm.s32 $0x0  }
0x61: {  	[tilespmem:s31], [sflag:$0x1] =	stream.linear.gather [hbm4b:s21+s4], $0x80, $0x38;
	[tilespmem:$0x4200] =	vst v63  }
.LBB2_2:
0x62: {  	p1 =	seq.s32 s25, $0x19F  }
.Ltmp0:
0x63: {  	_ = 	snop;
	(pc) =	sbr.rel @p1 .LBB2_4-.Ltmp0, $2  }
0x64: {  	_ =	sdelay $0x2  }
0x65: {  	s26 =	sadd.s32 $0x1, s25  }
0x66: {  	s0 =	sadd.s32 s5, s26  }
0x67: {  	s28 =	sand.u32 $0x1, s26;
	s1 =	sshll.u32 s0, $0x9;
	s0 =	sshll.u32 s0, $0x7  }
0x68: {  	s29 =	smul.u32 $0x4400, s28;
	s1 =	sand.u32 $0x1FFC0000, s1;
	s0 =	sand.u32 $0xFF80, s0  }
0x69: {  	s1 =	sor.u32 s0, s1  }
0x6a: {  	s28 =	sadd.s32 $0x1, s28;
	s29 =	sshrl.u32 s29, $0x2;
	s0 =	sadd.s32 s2, s1  }
0x6b: {  	[tilespmem:s29], [sflag:s28] =	stream.linear.gather [hbm4b:s0+s4], $0x80, $0x38;
	[tilespmem:$0x4200] =	vst v63  }
0x6c: {  	s31 =	sor.u32 $0x88, s29;
	s30 =	sadd.s32 $0x10, s0  }
0x6d: {  	[tilespmem:s31], [sflag:s28] =	stream.linear.gather [hbm4b:s30+s4], $0x80, $0x38;
	[tilespmem:$0x4200] =	vst v63  }
0x6e: {  	s30 =	sadd.s32 $0x20, s0;
	s31 =	sadd.s32 $0x110, s29  }
0x6f: {  	[tilespmem:s31], [sflag:s28] =	stream.linear.gather [hbm4b:s30+s4], $0x80, $0x38;
	[tilespmem:$0x4200] =	vst v63  }
0x70: {  	s30 =	sadd.s32 $0x30, s0;
	s31 =	sadd.s32 $0x198, s29  }
0x71: {  	[tilespmem:s31], [sflag:s28] =	stream.linear.gather [hbm4b:s30+s4], $0x80, $0x38;
	[tilespmem:$0x4200] =	vst v63  }
0x72: {  	s30 =	sadd.s32 $0x40, s0;
	s31 =	sadd.s32 $0x220, s29  }
0x73: {  	[tilespmem:s31], [sflag:s28] =	stream.linear.gather [hbm4b:s30+s4], $0x80, $0x38;
	[tilespmem:$0x4200] =	vst v63  }
0x74: {  	s30 =	sadd.s32 $0x50, s0;
	s31 =	sadd.s32 $0x2A8, s29  }
0x75: {  	[tilespmem:s31], [sflag:s28] =	stream.linear.gather [hbm4b:s30+s4], $0x80, $0x38;
	[tilespmem:$0x4200] =	vst v63  }
0x76: {  	s30 =	sadd.s32 $0x60, s0;
	s31 =	sadd.s32 $0x330, s29  }
0x77: {  	[tilespmem:s31], [sflag:s28] =	stream.linear.gather [hbm4b:s30+s4], $0x80, $0x38;
	[tilespmem:$0x4200] =	vst v63  }
0x78: {  	s0 =	sadd.s32 $0x70, s0;
	s31 =	sadd.s32 $0x3B8, s29  }
0x79: {  	[tilespmem:s31], [sflag:s28] =	stream.linear.gather [hbm4b:s0+s4], $0x80, $0x38;
	[tilespmem:$0x4200] =	vst v63  }
0x7a: {  	s30 =	sadd.s32 s1, s7;
	s31 =	sadd.s32 $0x440, s29  }
0x7b: {  	[tilespmem:s31], [sflag:s28] =	stream.linear.gather [hbm4b:s30+s4], $0x80, $0x38;
	[tilespmem:$0x4200] =	vst v63  }
0x7c: {  	s0 =	sadd.s32 $0x10, s30;
	s31 =	sadd.s32 $0x4C8, s29  }
0x7d: {  	[tilespmem:s31], [sflag:s28] =	stream.linear.gather [hbm4b:s0+s4], $0x80, $0x38;
	[tilespmem:$0x4200] =	vst v63  }
0x7e: {  	s0 =	sadd.s32 $0x20, s30;
	s31 =	sadd.s32 $0x550, s29  }
0x7f: {  	[tilespmem:s31], [sflag:s28] =	stream.linear.gather [hbm4b:s0+s4], $0x80, $0x38;
	[tilespmem:$0x4200] =	vst v63  }
0x80: {  	s0 =	sadd.s32 $0x30, s30;
	s31 =	sadd.s32 $0x5D8, s29  }
0x81: {  	[tilespmem:s31], [sflag:s28] =	stream.linear.gather [hbm4b:s0+s4], $0x80, $0x38;
	[tilespmem:$0x4200] =	vst v63  }
0x82: {  	s0 =	sadd.s32 $0x40, s30;
	s31 =	sadd.s32 $0x660, s29  }
0x83: {  	[tilespmem:s31], [sflag:s28] =	stream.linear.gather [hbm4b:s0+s4], $0x80, $0x38;
	[tilespmem:$0x4200] =	vst v63  }
0x84: {  	s0 =	sadd.s32 $0x50, s30;
	s31 =	sadd.s32 $0x6E8, s29  }
0x85: {  	[tilespmem:s31], [sflag:s28] =	stream.linear.gather [hbm4b:s0+s4], $0x80, $0x38;
	[tilespmem:$0x4200] =	vst v63  }
0x86: {  	s0 =	sadd.s32 $0x60, s30;
	s31 =	sadd.s32 $0x770, s29  }
0x87: {  	[tilespmem:s31], [sflag:s28] =	stream.linear.gather [hbm4b:s0+s4], $0x80, $0x38;
	[tilespmem:$0x4200] =	vst v63  }
0x88: {  	s0 =	sadd.s32 $0x70, s30;
	s31 =	sadd.s32 $0x7F8, s29  }
0x89: {  	[tilespmem:s31], [sflag:s28] =	stream.linear.gather [hbm4b:s0+s4], $0x80, $0x38;
	[tilespmem:$0x4200] =	vst v63  }
0x8a: {  	s30 =	sadd.s32 s1, s8;
	s31 =	sadd.s32 $0x880, s29  }
0x8b: {  	[tilespmem:s31], [sflag:s28] =	stream.linear.gather [hbm4b:s30+s4], $0x80, $0x38;
	[tilespmem:$0x4200] =	vst v63  }
0x8c: {  	s0 =	sadd.s32 $0x10, s30;
	s31 =	sadd.s32 $0x908, s29  }
0x8d: {  	[tilespmem:s31], [sflag:s28] =	stream.linear.gather [hbm4b:s0+s4], $0x80, $0x38;
	[tilespmem:$0x4200] =	vst v63  }
0x8e: {  	s0 =	sadd.s32 $0x20, s30;
	s31 =	sadd.s32 $0x990, s29  }
0x8f: {  	[tilespmem:s31], [sflag:s28] =	stream.linear.gather [hbm4b:s0+s4], $0x80, $0x38;
	[tilespmem:$0x4200] =	vst v63  }
0x90: {  	s0 =	sadd.s32 $0x30, s30;
	s31 =	sadd.s32 $0xA18, s29  }
0x91: {  	[tilespmem:s31], [sflag:s28] =	stream.linear.gather [hbm4b:s0+s4], $0x80, $0x38;
	[tilespmem:$0x4200] =	vst v63  }
0x92: {  	s0 =	sadd.s32 $0x40, s30;
	s31 =	sadd.s32 $0xAA0, s29  }
0x93: {  	[tilespmem:s31], [sflag:s28] =	stream.linear.gather [hbm4b:s0+s4], $0x80, $0x38;
	[tilespmem:$0x4200] =	vst v63  }
0x94: {  	s0 =	sadd.s32 $0x50, s30;
	s31 =	sadd.s32 $0xB28, s29  }
0x95: {  	[tilespmem:s31], [sflag:s28] =	stream.linear.gather [hbm4b:s0+s4], $0x80, $0x38;
	[tilespmem:$0x4200] =	vst v63  }
0x96: {  	s0 =	sadd.s32 $0x60, s30;
	s31 =	sadd.s32 $0xBB0, s29  }
0x97: {  	[tilespmem:s31], [sflag:s28] =	stream.linear.gather [hbm4b:s0+s4], $0x80, $0x38;
	[tilespmem:$0x4200] =	vst v63  }
0x98: {  	s0 =	sadd.s32 $0x70, s30;
	s31 =	sadd.s32 $0xC38, s29  }
0x99: {  	[tilespmem:s31], [sflag:s28] =	stream.linear.gather [hbm4b:s0+s4], $0x80, $0x38;
	[tilespmem:$0x4200] =	vst v63  }
0x9a: {  	s1 =	sadd.s32 s1, s9;
	s30 =	sadd.s32 $0xCC0, s29  }
0x9b: {  	[tilespmem:s30], [sflag:s28] =	stream.linear.gather [hbm4b:s1+s4], $0x80, $0x38;
	[tilespmem:$0x4200] =	vst v63  }
0x9c: {  	s0 =	sadd.s32 $0x10, s1;
	s31 =	sadd.s32 $0xD48, s29  }
0x9d: {  	[tilespmem:s31], [sflag:s28] =	stream.linear.gather [hbm4b:s0+s4], $0x80, $0x38;
	[tilespmem:$0x4200] =	vst v63  }
0x9e: {  	s0 =	sadd.s32 $0x20, s1;
	s31 =	sadd.s32 $0xDD0, s29  }
0x9f: {  	[tilespmem:s31], [sflag:s28] =	stream.linear.gather [hbm4b:s0+s4], $0x80, $0x38;
	[tilespmem:$0x4200] =	vst v63  }
0xa0: {  	s0 =	sadd.s32 $0x30, s1;
	s31 =	sadd.s32 $0xE58, s29  }
0xa1: {  	[tilespmem:s31], [sflag:s28] =	stream.linear.gather [hbm4b:s0+s4], $0x80, $0x38;
	[tilespmem:$0x4200] =	vst v63  }
0xa2: {  	s0 =	sadd.s32 $0x40, s1;
	s31 =	sadd.s32 $0xEE0, s29  }
0xa3: {  	[tilespmem:s31], [sflag:s28] =	stream.linear.gather [hbm4b:s0+s4], $0x80, $0x38;
	[tilespmem:$0x4200] =	vst v63  }
0xa4: {  	s0 =	sadd.s32 $0x50, s1;
	s31 =	sadd.s32 $0xF68, s29  }
0xa5: {  	[tilespmem:s31], [sflag:s28] =	stream.linear.gather [hbm4b:s0+s4], $0x80, $0x38;
	[tilespmem:$0x4200] =	vst v63  }
0xa6: {  	s0 =	sadd.s32 $0x60, s1;
	s31 =	sadd.s32 $0xFF0, s29  }
0xa7: {  	[tilespmem:s31], [sflag:s28] =	stream.linear.gather [hbm4b:s0+s4], $0x80, $0x38;
	[tilespmem:$0x4200] =	vst v63  }
0xa8: {  	s30 =	sadd.s32 $0x70, s1;
	s31 =	sadd.s32 $0x1078, s29  }
0xa9: {  	[tilespmem:s31], [sflag:s28] =	stream.linear.gather [hbm4b:s30+s4], $0x80, $0x38;
	[tilespmem:$0x4200] =	vst v63  }
.LBB2_4:
0xaa: {  	s28 =	sand.u32 $0x1, s25  }
0xab: {  	s0 =	sadd.s32 $0x1, s28  }
0xac: {  	_ =	swait.ge [sflag:s0], $0x400  }
0xad: {  	[sflag:s0] =	ssyncset.done $0x0  }
0xae: {  	[sflag:s0] =	ssyncadd.s32 $0xFFFFFC00  }
0xaf: {  	_ =	swait.ge [sflag:s0], $0x400  }
0xb0: {  	[sflag:s0] =	ssyncset.done $0x0  }
0xb1: {  	[sflag:s0] =	ssyncadd.s32 $0xFFFFFC00  }
0xb2: {  	_ =	swait.ge [sflag:s0], $0x400  }
0xb3: {  	[sflag:s0] =	ssyncset.done $0x0  }
0xb4: {  	[sflag:s0] =	ssyncadd.s32 $0xFFFFFC00  }
0xb5: {  	v20 =	vimm.s32 $0x0;
	_ =	swait.ge [sflag:s0], $0x400  }
0xb6: {  	p1 =	slt.u32 s25, $0x2;
	v16 =	vadd.s32 v13, v20;
	[sflag:s0] =	ssyncset.done $0x0  }
0xb7: {  	v17 =	vadd.s32 v14, v20;
	[sflag:s0] =	ssyncadd.s32 $0xFFFFFC00;
	s0 =	sadd.s32 @!p1 $0x3, s28  }
0xb8: {  	s1 =	smul.u32 $0x4400, s28;
	v18 =	vadd.s32 v15, v20;
	_ =	swait.ge @!p1 [sflag:s0], $0x1000  }
0xb9: {  	v21 =	vadd.s32 v11, v20;
	[sflag:s0] =	ssyncset.done @!p1 $0x0  }
0xba: {  	v22 =	vadd.s32 v10, v20;
	s29 =	sshrl.u32 s1, $0x2;
	[sflag:s0] =	ssyncadd.s32 @!p1 $0xFFFFF000  }
0xbb: {  	v23 =	vadd.s32 v12, v20;
	v19 =	vld.idx.msk [tilespmem:v16+s29+$0x0], $0xffff  }
0xbc: {  	v26 =	vadd.s32 v9, v20;
	v25 =	vld.idx.msk [tilespmem:v17+s29+$0x0], $0xffff  }
0xbd: {  	v27 =	vadd.s32 v8, v20;
	v18 =	vld.idx.msk [tilespmem:v18+s29+$0x0], $0xffff  }
0xbe: {  	s0 =	simm.s32 $0x1;
	v16 =	vadd.s32 v7, v20;
	v28 =	vld.idx.msk [tilespmem:v21+s29+$0x0], $0xffff  }
0xbf: {  	v29 =	vadd.s32 v4, v20;
	s0 =	simm.s32 @!p0 $0x0;
	v30 =	vld.idx.msk [tilespmem:v22+s29+$0x0], $0xffff  }
0xc0: {  	v31 =	vadd.s32 v2, v20;
	v24 =	vld.idx.msk [tilespmem:v23+s29+$0x0], $0xffff;
	s0 =	sshll.u32 s0, $0xC  }
0xc1: {  	v26 =	vld.idx.msk [tilespmem:v26+s29+$0x0], $0xffff;
	v21 =	vadd.s32 v5, v20;
	s0 =	sor.u32 $0x2280, s0  }
0xc2: {  	v27 =	vld.idx.msk [tilespmem:v27+s29+$0x0], $0xffff;
	v22 =	vadd.s32 v6, v20;
	[tilespmem:s0+$0x60] =	vst v25  }
0xc3: {  	v23 =	vadd.s32 v3, v20;
	v17 =	vld.idx.msk [tilespmem:v16+s29+$0x0], $0xffff;
	[tilespmem:s0+$0x70] =	vst v18  }
0xc4: {  	s1 =	sshll.u32 s28, $0xC;
	v18 =	vadd.s32 v1, v20;
	v25 =	vld.idx.msk [tilespmem:v29+s29+$0x0], $0xffff;
	[tilespmem:s0+$0x30] =	vst v28  }
0xc5: {  	s31 =	sor.u32 $0x2200, s1;
	s1 =	simm.s32 $0x0;
	s30 =	smov.u32 s0;
	v28 =	vadd.s32 v0, v20;
	v16 =	vld.idx.msk [tilespmem:v31+s29+$0x0], $0xffff;
	[tilespmem:s0+$0x20] =	vst v30;
	v20 =	vadd.s32 $0x8, v20  }
.LBB2_5:
0xc6: {  	v29 =	vadd.s32 v13, v20;
	s1 =	sadd.s32 $0x8, s1;
	v30 =	vld.idx.msk [tilespmem:v21+s29+$0x0], $0xffff;
	[tilespmem:s0+$0x50] =	vst v19;
	s30 =	sadd.s32 $0x100, s30  }
0xc7: {  	p1 =	slt.u32 s1, $0x78;
	v31 =	vld.idx.msk [tilespmem:v22+s29+$0x0], $0xffff;
	[tilespmem:s0+$0x40] =	vst v24  }
0xc8: {  	v24 =	vld.idx.msk [tilespmem:v23+s29+$0x0], $0xffff;
	[tilespmem:s0+$0x10] =	vst v26  }
0xc9: {  	v32 =	vadd.s32 v15, v20;
	v26 =	vadd.s32 v14, v20;
	v33 =	vld.idx.msk [tilespmem:v18+s29+$0x0], $0xffff;
	[tilespmem:s0+$0x0] =	vst v27  }
0xca: {  	v34 =	vadd.s32 v11, v20;
	v35 =	vadd.s32 v12, v20;
	v27 =	vadd.s32 v10, v20;
	v28 =	vld.idx.msk [tilespmem:v28+s29+$0x0], $0xffff  }
0xcb: {  	v36 =	vadd.s32 v7, v20;
	v37 =	vadd.s32 v8, v20;
	v38 =	vadd.s32 v9, v20;
	[tilespmem:s0+$0xFFFFFFC0] =	vst v25  }
0xcc: {  	v21 =	vadd.s32 v5, v20;
	v22 =	vadd.s32 v6, v20;
	v25 =	vadd.s32 v4, v20;
	[tilespmem:s0+$0xFFFFFFF0] =	vst v17  }
0xcd: {  	v39 =	vadd.s32 v2, v20;
	v23 =	vadd.s32 v3, v20;
	v18 =	vadd.s32 v1, v20;
	v19 =	vld.idx.msk [tilespmem:v29+s29+$0x0], $0xffff  }
0xce: {  	v29 =	vld.idx.msk [tilespmem:v26+s29+$0x0], $0xffff;
	[tilespmem:s0+$0xFFFFFFE0] =	vst v31  }
0xcf: {  	v31 =	vld.idx.msk [tilespmem:v32+s29+$0x0], $0xffff;
	[tilespmem:s0+$0xFFFFFFB0] =	vst v24  }
0xd0: {  	v32 =	vld.idx.msk [tilespmem:v34+s29+$0x0], $0xffff;
	[tilespmem:s0+$0xFFFFFFD0] =	vst v30  }
0xd1: {  	v30 =	vld.idx.msk [tilespmem:v27+s29+$0x0], $0xffff;
	[tilespmem:s0+$0xFFFFFF80] =	vst v28  }
0xd2: {  	v24 =	vld.idx.msk [tilespmem:v35+s29+$0x0], $0xffff;
	[tilespmem:s0+$0xFFFFFF90] =	vst v33  }
.Ltmp1:
0xd3: {  	v17 =	vld.idx.msk [tilespmem:v36+s29+$0x0], $0xffff;
	[tilespmem:s0+$0xFFFFFFA0] =	vst v16;
	s0 =	smov.u32 s30;
	(pc) =	sbr.rel @p1 .LBB2_5-.Ltmp1, $4  }
0xd4: {  	v26 =	vld.idx.msk [tilespmem:v38+s29+$0x0], $0xffff;
	[tilespmem:s30+$0x60] =	vst v29  }
0xd5: {  	v28 =	vadd.s32 v0, v20;
	v27 =	vld.idx.msk [tilespmem:v37+s29+$0x0], $0xffff;
	[tilespmem:s30+$0x70] =	vst v31  }
0xd6: {  	v25 =	vld.idx.msk [tilespmem:v25+s29+$0x0], $0xffff;
	[tilespmem:s30+$0x30] =	vst v32  }
0xd7: {  	v20 =	vadd.s32 $0x8, v20;
	v16 =	vld.idx.msk [tilespmem:v39+s29+$0x0], $0xffff;
	[tilespmem:s30+$0x20] =	vst v30  }
0xd8: {  	_ =	sdelay $0x1  }
0xd9: {  	[tilespmem:s0+$0x50] =	vst v19  }
0xda: {  	[tilespmem:s0+$0x40] =	vst v24  }
0xdb: {  	v62 =	vld.idx.msk [tilespmem:v22+s29+$0x0], $0xffff;
	[tilespmem:s0+$0xFFFFFFF0] =	vst v17  }
0xdc: {  	v20 =	vld.idx.msk [tilespmem:v23+s29+$0x0], $0xffff;
	[tilespmem:s0+$0x10] =	vst v26  }
0xdd: {  	v21 =	vld.idx.msk [tilespmem:v21+s29+$0x0], $0xffff;
	[tilespmem:s0+$0x0] =	vst v27  }
0xde: {  	v63 =	vld.idx.msk [tilespmem:v28+s29+$0x0], $0xffff;
	[tilespmem:s0+$0xFFFFFFC0] =	vst v25  }
0xdf: {  	v18 =	vld.idx.msk [tilespmem:v18+s29+$0x0], $0xffff;
	[tilespmem:s0+$0xFFFFFFA0] =	vst v16  }
0xe0: {  	p1 =	sne.s32 s26, $0x1A0;
	[tilespmem:s0+$0xFFFFFFE0] =	vst v62  }
.Ltmp2:
0xe1: {  	[tilespmem:s0+$0xFFFFFFB0] =	vst v20;
	(pc) =	sbr.rel @p1 .LBB2_2-.Ltmp2, $4  }
0xe2: {  	s1 =	sadd.s32 s5, s25;
	[tilespmem:s0+$0xFFFFFFD0] =	vst v21  }
0xe3: {  	s30 =	sadd.s32 $0x3, s28;
	s1 =	sshll.u32 s1, $0x9;
	[tilespmem:s0+$0xFFFFFF80] =	vst v63  }
0xe4: {  	p0 =	por !p0, !p0;
	s25 =	smov.u32 s26;
	s1 =	sadd.s32 s3, s1;
	[tilespmem:s0+$0xFFFFFF90] =	vst v18  }
0xe5: {  	[hbm4b:s1+s4] =	stream.linear.scatter [tilespmem:s31], [sflag:s30], $0x1000, $0x38;
	[tilespmem:$0x4200] =	vst v63  }
0xe6: {  	_ =	swait.ge [sflag:s22], $0x1000  }
0xe7: {  	[sflag:s22] =	ssyncset.done $0x0  }
0xe8: {  	[sflag:s22] =	ssyncadd.s32 $0xFFFFF000  }
0xe9: {  	_ =	swait.ge [sflag:s23], $0x1000  }
0xea: {  	s24 =	sadd.s32 $0x1, s24;
	s0 =	rddreg [dreg:$0x3]  }
0xeb: {  	p0 =	sne.s32 s24, s0  }
.Ltmp3:
0xec: {  	_ = 	snop;
	(pc) =	sbr.rel @p0 .LBB2_1-.Ltmp3, $3  }
0xed: {  	_ =	sdelay $0x1  }
0xee: {  	[sflag:s23] =	ssyncset.done $0x0  }
0xef: {  	[sflag:s23] =	ssyncadd.s32 $0xFFFFF000  }
0xf0: {  	_ =	sfence.sel $0x180000  }
0xf1: {  	[bflag:$0x0] =	sbarrier.arrive $0xFFFF  }
0xf2: {  	_ =	strace $0x90000047  }
0xf3: {  	s0 =	stileid.u32;
	[bflag:$0x2] =	sbarrier.arrive $0xFFFF  }
0xf4: {  	p0 =	sne.s32 s0, $0x0;
	s0 =	rddreg [dreg:$0x2]  }
0xf5: {  	s0 =	sadd.s32 @!p0 $0x100000, s0  }
0xf6: {  	[sflag:s0] =	ssyncadd.tile.s32 @!p0 $0x1;
	_ =	shalt  }
.Lfunc_end2:
_tile_overlayer_lowered:
.L_overlay_start_2:
0xf7: {  	(tag) =	ssettag $0x2  }
0xf8: {  	s0 =	rddreg [dreg:$0x0];
	s2 =	stileid.u32  }
0xf9: {  	s1 =	rddreg [dreg:$0x1];
	p0 =	sne.s32 s2, $0x0  }
0xfa: {  	s3 =	rddreg [dreg:$0x2];
	[bflag:$0x3] =	sbarrier.arrive $0xFFFF;
	s2 =	simm.s32 @!p0 $0x1C05  }
0xfb: {  	[timem:s3], [sflag:s2] =	dma.local @!p0 [hbm:s0], s1  }
0xfc: {  	s0 =	simm.s32 @!p0 $0x5  }
0xfd: {  	_ =	swait.ge @!p0 [sflag:s0], s1  }
0xfe: {  	s1 =	ssub.s32 @!p0 $0x0, s1;
	[sflag:s0] =	ssyncset.done @!p0 $0x0  }
0xff: {  	[sflag:s0] =	ssyncadd.s32 @!p0 s1  }
0x100: {  	[bflag:$0x3] =	sbarrier.arrive $0xFFFF  }
0x101: {  	_ =	shalt  }

// kernel: sparse-core-data-format-call.cloned.1.call-start
scs
called_computation_lowered:
.L_overlay_start_0:
0x0: {  	s2 =	sld [smem:$0x3FD9]  }
0x1: {  	s3 =	sld [smem:$0x3FFE];
	_ =	sdelay $0x1  }
0x2: {  	s1 =	srdreg.scid  }
0x3: {  	s0 =	sand.u32 $0x1, s1  }
0x4: {  	s18 =	sshll.u32 s0, $0xA;
	s2 =	sadd.s32 s3, s2  }
0x5: {  	s2 =	sadd.s32 s2, s18  }
0x6: {  	[smem:$0x3FC7] =	sst s2  }
0x7: {  	_ = 	snop  }
0x8: {  	s2 =	sld [smem:$0x3FD0];
	(tm) =	ssettm $0x1  }
0x9: {  	s19 =	sld [smem:$0x3FFB];
	_ =	sdelay $0x3  }
0xa: {  	_ =	strace s19  }
0xb: {  	s3 =	sld [smem:$0x3FFC];
	_ =	sdelay $0x3  }
0xc: {  	_ =	strace s3  }
0xd: {  	s3 =	sld [smem:$0x3FFD];
	_ =	sdelay $0x3  }
0xe: {  	_ =	strace s3  }
0xf: {  	_ =	strace $0x8FFFFFFF  }
0x10: {  	s20 =	sld [smem:$0x3FDB];
	_ =	sdelay $0x1  }
0x11: {  	s4 =	simm.s32 $_scs_section_size  }
0x12: {  	s5 =	simm.s32 $_size__tile_overlayer_lowered;
	s6 =	simm.s32 $_tile_overlayer_lowered  }
0x13: {  	s23 =	simm.s32 $0x1BFF;
	s22 =	sshll.u32 s6, $0x1;
	s3 =	sadd.s32 s4, s20  }
0x14: {  	s7 =	simm.s32 $0x0;
	s21 =	sshll.u32 s5, $0x1;
	s5 =	sadd.s32 s22, s3  }
0x15: {  	[timem:s7], [sflag:s23] =	dma.local [hbm:s5], s21  }
0x16: {  	_ =	swait.ge [sflag:s23], s21  }
0x17: {  	s4 =	ssub.s32 $0x0, s21;
	[sflag:s23] =	ssyncset.done $0x0  }
0x18: {  	[sflag:s23] =	ssyncadd.s32 s4;
	_ =	sdelay $0x1  }
0x19: {  	s24 =	simm.s32 $0x1B8B  }
0x1a: {  	_ =	swait.ge [sflag:s24], $0x1  }
0x1b: {  	[sflag:s24] =	ssyncset.done $0x0  }
0x1c: {  	s26 =	simm.s32 $0x1B8E;
	s25 =	sld [smem:$0x3FFE];
	[sflag:s24] =	ssyncadd.s32 $0xFFFFFFFF  }
0x1d: {  	s27 =	simm.s32 $execute0_lowered;
	[smem:$0x3FD2] =	sst s26  }
0x1e: {  	s5 =	sshll.u32 s27, $0x1;
	_ =	strace $0x80000049;
	[dreg:$0x1] =	wrdreg $0xFFFFFFFF  }
0x1f: {  	s28 =	simm.s32 $_size_execute0_lowered;
	s3 =	sadd.s32 s3, s5;
	[dreg:$0x0] =	wrdreg $0x0  }
0x20: {  	s5 =	sshll.u32 s28, $0x1;
	[dreg:$0x2] =	wrdreg s3  }
0x21: {  	[dreg:$0x3] =	wrdreg s5  }
0x22: {  	[dreg:$0x4] =	wrdreg $0xC0  }
0x23: {  	_ =	task [dreg:s7], $0x5FFFF  }
0x24: {  	[dreg:$0x1] =	wrdreg $0xFFFFFFFF  }
0x25: {  	[dreg:$0x0] =	wrdreg $0x60  }
0x26: {  	[dreg:$0x2] =	wrdreg s25  }
0x27: {  	[dreg:$0x3] =	wrdreg s2  }
0x28: {  	[dreg:$0x4] =	wrdreg $0x9  }
0x29: {  	_ =	task.clear_ibuf [dreg:s7], $0x5FFFF;
	_ =	strace $0x90000049  }
0x2a: {  	s29 =	simm.s32 $0x9;
	_ =	strace $0x8000004B  }
0x2b: {  	_ =	swait.ge [sflag:s29], $0x1  }
0x2c: {  	[sflag:s29] =	ssyncadd.s32 $0xFFFFFFFF  }
0x2d: {  	_ =	strace $0x9000004B  }
0x2e: {  	_ =	sfence  }
0x2f: {  	s30 =	sld [smem:$0x0];
	_ =	sdelay $0x2  }
0x30: {  	s31 =	sshll.u32 s1, $0xD;
	s1 =	sshrl.u32 s1, $0x2  }
0x31: {  	s3 =	sand.u32 $0x4000, s31;
	s1 =	sadd.s32 s1, s30  }
0x32: {  	s0 =	sor.u32 s3, s0;
	s1 =	sshll.u32 s1, $0x11  }
0x33: {  	s0 =	sor.u32 s1, s0  }
0x34: {  	s0 =	sadd.s32 $0x8F2B, s0  }
0x35: {  	[sflag:s0] =	ssyncadd.remote.s32 $0x1  }
0x36: {  	_ =	sfence.sel $0xFFFF  }
0x37: {  	[dreg:$0x0] =	wrdreg $0xFFFFFFFF;
	(pc) =	sbr.abs _section_cstart, $3  }
0x38: {  	[dreg:$0x1] =	wrdreg $0xFFFFFFFF  }
0x39: {  	_ =	task.clear_ibuf [dreg:s7], $0x2FFFF;
	_ =	strace $0x9FFFFFFF  }
0x3a: {  	(tm) =	ssettm $0x7FFFFFFF  }
0x3b: {  	_ =	shalt  }
tec
execute0_lowered:
.L_overlay_start_1:
0x0: {  	(tag) =	ssettag $0x1  }
0x1: {  	s0 =	srdreg.scid  }
0x2: {  	s1 =	sshll.u32 s0, $0x4  }
0x3: {  	s4 =	rddreg [dreg:$0x0];
	s0 =	stileid.u32;
	s1 =	sand.u32 $0x10, s1  }
0x4: {  	s2 =	rddreg [dreg:$0x1];
	s7 =	simm.s32 $0x1;
	s1 =	sor.u32 s0, s1  }
0x5: {  	s8 =	simm.s32 $0x2;
	s11 =	simm.s32 $0x0;
	s3 =	sshll.u32 s1, $0x7  }
0x6: {  	s10 =	simm.s32 $0x0;
	s4 =	sadd.s32 $0x800, s4;
	s6 =	ssub.s32 $0x1A0000, s3  }
.Ltmp0:
0x7: {  	s1 =	rddreg [dreg:$0x2];
	s5 =	sand.u32 $0xF80, s6;
	(pc) =	sbr.rel .LBB1_1-.Ltmp0, $4  }
0x8: {  	_ =	strace $0x8000004A;
	s9 =	smov.u32 s3;
	p0 =	sne.s32 s5, $0x0  }
0x9: {  	s6 =	sshrl.u32 s6, $0xC;
	s5 =	simm.s32 $0x1;
	s7 =	simm.s32 @!p0 $0x0  }
0xa: {  	[sflag:s5] =	ssyncpa.u1 $0x0;
	p0 =	por $0x0, $0x0;
	s6 =	sadd.s32 s7, s6  }
0xb: {  	[sflag:s8] =	ssyncpa.u1 $0x0;
	s8 =	simm.s32 $0xD00000;
	s7 =	sadd.s32 $0x1, s6  }
.LBB1_4:
0xc: {  	s14 =	sshll.u32 s11, $0x3  }
0xd: {  	s30 =	sand.u32 $0x7F, s11;
	s15 =	sand.u32 $0xFFFFFC00, s14  }
0xe: {  	s11 =	sor.u32 s30, s15  }
0xf: {  	s15 =	smulhi.u32 $0x4EC4EC4F, s11  }
0x10: {  	s14 =	smulhi.u32 $0x4EC4EC4F, s14  }
0x11: {  	s15 =	sshrl.u32 s15, $0x13  }
0x12: {  	s14 =	sshrl.u32 s14, $0x13;
	s15 =	smul.u32 $0x1A0000, s15  }
0x13: {  	s14 =	sand.u32 $0x1F, s14  }
0x14: {  	s14 =	smul.u32 $0x34000, s14;
	s11 =	ssub.s32 s11, s15  }
0x15: {  	s15 =	sand.u32 $0x7, s11  }
0x16: {  	s14 =	sadd.s32 s2, s14;
	s11 =	sshrl.u32 s11, $0x3;
	s15 =	sshll.u32 s15, $0x12  }
0x17: {  	[tilespmem:s13+$0x0 ss:$0x81] =	vst.msk $0xffff, v0;
	s11 =	sadd.s32 s11, s14;
	s31 =	sor.u32 $0x400, s15  }
0x18: {  	[hbm4b:s11+s31] =	stream.strided.scatter [tilespmem:s12], [sflag:$0x2], $0x1000, s8, s31, $0x20;
	[tilespmem:$0x4040] =	vst v63  }
.LBB1_5:
0x19: {  	s13 =	sadd.s32 $0x1000, s9  }
0x1a: {  	p2 =	sgt.s32 s13, $0x19FFFF  }
0x1b: {  	s13 =	smov.u32 @p2 s3;
	p2 =	sne.s32 s10, s7  }
.Ltmp1:
0x1c: {  	p1 =	slt.u32 s10, $0x2;
	(pc) =	sbr.rel @!p2 .LBB1_6-.Ltmp1, $4  }
0x1d: {  	s12 =	simm.s32 @!p1 $0x2  }
0x1e: {  	s14 =	sadd.s32 $0x1, s10;
	_ =	swait.ge @!p1 [sflag:s12], $0x1000  }
0x1f: {  	s11 =	smov.u32 s9;
	p0 =	por !p0, !p0;
	[sflag:s12] =	ssyncset.done @!p1 $0x0  }
0x20: {  	s10 =	smov.u32 s14;
	s9 =	smov.u32 s13;
	[sflag:s12] =	ssyncadd.s32 @!p1 $0xFFFFF000  }
.LBB1_1:
0x21: {  	p1 =	sge.u32 s10, s6  }
0x22: {  	s12 =	sand.u32 @!p1 $0x1FFFFFF, s9  }
0x23: {  	s13 =	smulhi.u32 @!p1 $0x2762763, s12;
	_ =	sdelay $0x1  }
0x24: {  	s13 =	sshrl.u32 @!p1 s13, $0xE  }
0x25: {  	s13 =	smul.u32 @!p1 $0x1A0000, s13;
	_ =	sdelay $0x1  }
0x26: {  	s31 =	sadd.s32 $0xFFFFFFFF, s10;
	s14 =	sxor.u32 @!p1 $0xFFFFFFFF, s10;
	s12 =	ssub.s32 @!p1 s12, s13  }
0x27: {  	s15 =	simm.s32 @!p1 $0x80;
	s14 =	sshll.u32 @!p1 s14, $0xC;
	s12 =	sshll.u32 @!p1 s12, $0x4  }
0x28: {  	s13 =	sand.u32 @!p1 $0x1000, s14;
	s14 =	simm.s32 @!p1 $0x20;
	s12 =	sadd.s32 @!p1 s4, s12  }
0x29: {  	[tilespmem:s13], [sflag:$0x1] =	stream.strided.gather @!p1 [hbm4b:s12+s14], $0x1000, s15, s14, $0x38;
	[tilespmem:$0x4040] =	vst v63  }
0x2a: {  	p1 =	sge.u32 s31, s6  }
.Ltmp2:
0x2b: {  	_ = 	snop;
	(pc) =	sbr.rel @p1 .LBB1_5-.Ltmp2, $1  }
0x2c: {  	_ =	sdelay $0x3  }
0x2d: {  	s12 =	simm.s32 $0x1  }
0x2e: {  	_ =	swait.ge [sflag:s5], $0x1000;
	s12 =	simm.s32 @!p0 $0x0  }
0x2f: {  	[sflag:s5] =	ssyncset.done $0x0;
	s13 =	sshll.u32 s12, $0xC  }
0x30: {  	[sflag:s5] =	ssyncadd.s32 $0xFFFFF000;
	s16 =	sor.u32 $0x10, s13  }
0x31: {  	s12 =	smul.u32 $0x4080, s12;
	v1 =	vld [tilespmem:s16+$0x0]  }
0x32: {  	s30 =	sand.u32 $0x1, s10;
	v0 =	vld [tilespmem:s16+$0xFFFFFFF0]  }
0x33: {  	s13 =	smul.u32 $0x4080, s30;
	s12 =	sshrl.u32 s12, $0x2  }
0x34: {  	s14 =	sor.u32 $0x2000, s12  }
0x35: {  	s31 =	sshrl.u32 s13, $0x2;
	s13 =	sadd.s32 $0x0, s14  }
0x36: {  	s15 =	simm.s32 $0x4;
	s16 =	sadd.s32 $0x20, s16;
	s12 =	sor.u32 $0x2000, s31;
	[tilespmem:s13+$0x810 ss:$0x81] =	vst.msk $0xffff, v1  }
.LBB1_3:
0x37: {  	v1 =	vld [tilespmem:s16+$0x0];
	p1 =	sne.s32 s15, $0x1FC;
	[tilespmem:s13+$0x0 ss:$0x81] =	vst.msk $0xffff, v0;
	s13 =	smov.u32 s15;
	s15 =	sadd.s32 $0x4, s15  }
.Ltmp3:
0x38: {  	v0 =	vld [tilespmem:s16+$0xFFFFFFF0];
	(pc) =	sbr.rel @p1 .LBB1_3-.Ltmp3, $4  }
0x39: {  	_ = 	snop  }
0x3a: {  	s13 =	sshra.s32 s13, $0x2  }
0x3b: {  	s13 =	sadd.s32 s13, s14  }
0x3c: {  	s16 =	sadd.s32 $0x20, s16;
	[tilespmem:s13+$0x810 ss:$0x81] =	vst.msk $0xffff, v1  }
.Ltmp4:
0x3d: {  	_ = 	snop;
	(pc) =	sbr.rel .LBB1_4-.Ltmp4, $1  }
0x3e: {  	_ =	sdelay $0x3  }
.LBB1_6:
0x3f: {  	_ =	sfence.sel $0x180000  }
0x40: {  	s2 =	simm.s32 $0x1;
	[bflag:$0x0] =	sbarrier.arrive $0xFFFF  }
0x41: {  	s31 =	simm.s32 $0x2;
	[sflag:s2] =	ssyncpa.u1 $0x1  }
0x42: {  	[sflag:s31] =	ssyncpa.u1 $0x1  }
0x43: {  	p0 =	sne.s32 s0, $0x0;
	_ =	strace $0x9000004A  }
0x44: {  	s0 =	sadd.s32 @!p0 $0x100000, s1;
	[bflag:$0x2] =	sbarrier.arrive $0xFFFF  }
0x45: {  	[sflag:s0] =	ssyncadd.tile.s32 @!p0 $0x1;
	_ =	shalt  }
.Lfunc_end1:
_tile_overlayer_lowered:
.L_overlay_start_2:
0x46: {  	(tag) =	ssettag $0x2  }
0x47: {  	s0 =	rddreg [dreg:$0x0];
	s2 =	stileid.u32  }
0x48: {  	s1 =	rddreg [dreg:$0x1];
	p0 =	sne.s32 s2, $0x0  }
0x49: {  	s3 =	rddreg [dreg:$0x2];
	[bflag:$0x3] =	sbarrier.arrive $0xFFFF;
	s2 =	simm.s32 @!p0 $0x1C01  }
0x4a: {  	[timem:s3], [sflag:s2] =	dma.local @!p0 [hbm:s0], s1  }
0x4b: {  	s0 =	simm.s32 @!p0 $0x1  }
0x4c: {  	_ =	swait.ge @!p0 [sflag:s0], s1  }
0x4d: {  	s1 =	ssub.s32 @!p0 $0x0, s1;
	[sflag:s0] =	ssyncset.done @!p0 $0x0  }
0x4e: {  	[sflag:s0] =	ssyncadd.s32 @!p0 s1  }
0x4f: {  	[bflag:$0x3] =	sbarrier.arrive $0xFFFF  }
0x50: {  	_ =	shalt  }

</sc_bundles>
